<compile_context>
chip_gen: v7x
topology: tpu7x:2x2x1
jax: 0.10.2.dev20260603
libtpu: 0.0.44.dev20260713+nightly
codegen_flags: <defaults>
</compile_context>

<pallas_src>
import functools

import numpy as np

import jax
import jax.numpy as jnp
from jax import lax
from jax.experimental import pallas as pl
from jax.experimental.pallas import tpu as pltpu
from jax.experimental.pallas import tpu_sc as plsc

N_NODES = 10000
N_EDGES = 320000
D = 128

NC = 2
NS = 16
NW = NC * NS

CHUNK = 128
NCHUNK = 80
EDGES_PER_W = CHUNK * NCHUNK
E_PAD = NW * EDGES_PER_W
TCH = E_PAD // CHUNK
IDX_HALF = 40
N_PAD = 10112
ROWS_PER_SUB = N_PAD // NS

_mesh = plsc.VectorSubcoreMesh(core_axis_name="c", subcore_axis_name="s")


@functools.partial(
    pl.kernel,
    out_type=jax.ShapeDtypeStruct((NW, N_PAD), jnp.float32),
    mesh=_mesh,
    scratch_types=[
        pltpu.VMEM((NCHUNK, CHUNK), jnp.int32),
        pltpu.VMEM((N_PAD,), jnp.float32),
        pltpu.SemaphoreType.DMA,
    ],
    compiler_params=pltpu.CompilerParams(needs_layout_passes=False),
)
def _sc_count(ei_hbm, out_hbm, idx_v, hist_v, dsem):
    c = lax.axis_index("c")
    s = lax.axis_index("s")
    wid = s * NC + c
    pltpu.async_copy(ei_hbm.at[1, pl.ds(wid * NCHUNK, NCHUNK)], idx_v, dsem)

    def zero_body(j, _):
        hist_v[pl.ds(j * 16, 16)] = jnp.zeros((16,), jnp.float32)
        return 0

    lax.fori_loop(0, N_PAD // 16, zero_body, 0)
    pltpu.make_async_copy(ei_hbm.at[1, pl.ds(wid * NCHUNK, NCHUNK)],
                          idx_v, dsem).wait()

    ones = jnp.ones((16,), jnp.float32)

    def body(j, _):
        for g in range(CHUNK // 16):
            idx16 = idx_v[j, pl.ds(g * 16, 16)]
            plsc.addupdate_scatter(hist_v, [idx16], ones)
        return 0

    lax.fori_loop(0, NCHUNK, body, 0)
    pltpu.sync_copy(hist_v, out_hbm.at[wid])


def _dinv_body(cnt_ref, dinv_ref):
    deg = jnp.sum(cnt_ref[...], axis=0) + 1.0
    dinv_ref[...] = lax.rsqrt(deg).reshape(N_PAD, 1)


def _tc_dinv(cnt_parts):
    return pl.pallas_call(
        _dinv_body,
        out_shape=jax.ShapeDtypeStruct((N_PAD, 1), jnp.float32),
    )(cnt_parts)


def _mm_body(x_ref, w_ref, dinv_ref, o_ref):
    h = jnp.dot(x_ref[...], w_ref[...],
                preferred_element_type=jnp.float32)
    o_ref[...] = h * dinv_ref[...]


def _tc_matmul_scale(xp, W, dinv):
    blk = N_PAD // 8
    return pl.pallas_call(
        _mm_body,
        grid=(8,),
        in_specs=[
            pl.BlockSpec((blk, D), lambda i: (i, 0)),
            pl.BlockSpec((D, D), lambda i: (0, 0)),
            pl.BlockSpec((blk, 1), lambda i: (i, 0)),
        ],
        out_specs=pl.BlockSpec((blk, D), lambda i: (i, 0)),
        out_shape=jax.ShapeDtypeStruct((N_PAD, D), jnp.float32),
    )(xp, W, dinv)


@functools.partial(
    pl.kernel,
    out_type=jax.ShapeDtypeStruct((NC, N_PAD, D), jnp.float32),
    mesh=_mesh,
    scratch_types=[
        pltpu.VMEM((IDX_HALF, CHUNK), jnp.int32),
        pltpu.VMEM((IDX_HALF, CHUNK), jnp.int32),
        pltpu.VMEM((2, CHUNK, D), jnp.float32),
        pltpu.VMEM_SHARED((N_PAD, D), jnp.float32),
        pltpu.SemaphoreType.DMA,
        pltpu.SemaphoreType.DMA,
    ],
)
def _sc_scatter(h2_hbm, ei_hbm, out_hbm,
                src_v, dst_v, rows_v, agg, sem0, sem1):
    c = lax.axis_index("c")
    s = lax.axis_index("s")
    r0 = s * ROWS_PER_SUB
    @pl.when(c == 0)
    def _():
        pltpu.sync_copy(h2_hbm.at[pl.ds(r0, ROWS_PER_SUB)],
                        agg.at[pl.ds(r0, ROWS_PER_SUB)])

    @pl.when(c == 1)
    def _():
        def zb(j, _):
            rows_v[0, j // 8, pl.ds((j % 8) * 16, 16)] = (
                jnp.zeros((16,), jnp.float32))
            return 0

        lax.fori_loop(0, CHUNK * (D // 16), zb, 0)
        for k in range(4):
            pltpu.sync_copy(rows_v.at[0], agg.at[pl.ds(r0 + k * CHUNK, CHUNK)])
        pltpu.sync_copy(rows_v.at[0, pl.ds(0, ROWS_PER_SUB - 4 * CHUNK)],
                        agg.at[pl.ds(r0 + 4 * CHUNK,
                                     ROWS_PER_SUB - 4 * CHUNK)])

    plsc.subcore_barrier()

    def g_start(j, slot, sem):
        pltpu.async_copy(h2_hbm.at[src_v.at[j]], rows_v.at[slot], sem)

    def g_wait(slot, sem):
        pltpu.make_async_copy(h2_hbm.at[pl.ds(0, CHUNK)],
                              rows_v.at[slot], sem).wait()

    def s_add(j, slot):
        pltpu.sync_copy(rows_v.at[slot], agg.at[dst_v.at[j]], add=True)

    wid = s * NC + c

    def run_pass(chunk0, n_ch):
        pltpu.sync_copy(ei_hbm.at[0, pl.ds(wid * NCHUNK + chunk0, n_ch)],
                        src_v.at[pl.ds(0, n_ch)])
        pltpu.sync_copy(ei_hbm.at[1, pl.ds(wid * NCHUNK + chunk0, n_ch)],
                        dst_v.at[pl.ds(0, n_ch)])

        g_start(0, 0, sem0)

        def body(p, _):
            j = 2 * p

            @pl.when(j + 1 < n_ch)
            def _():
                g_start(j + 1, 1, sem1)

            g_wait(0, sem0)
            s_add(j, 0)

            @pl.when(j + 2 < n_ch)
            def _():
                g_start(j + 2, 0, sem0)

            @pl.when(j + 1 < n_ch)
            def _():
                g_wait(1, sem1)
                s_add(j + 1, 1)

            return 0

        lax.fori_loop(0, (n_ch + 1) // 2, body, 0)

    run_pass(0, IDX_HALF)
    run_pass(IDX_HALF, NCHUNK - IDX_HALF)

    plsc.subcore_barrier()
    pltpu.sync_copy(agg.at[pl.ds(r0, ROWS_PER_SUB)],
                    out_hbm.at[c, pl.ds(r0, ROWS_PER_SUB)])


def _final_body(x_ref, s_ref, dinv_ref, b_ref, o_ref):
    o_ref[...] = (x_ref[...]
                  + dinv_ref[...] * (s_ref[0] + s_ref[1])
                  + b_ref[...].reshape(1, D))


def _tc_final(x, S, dinv, b):
    blk = 1000
    return pl.pallas_call(
        _final_body,
        grid=(N_NODES // blk,),
        in_specs=[
            pl.BlockSpec((blk, D), lambda i: (i, 0)),
            pl.BlockSpec((NC, blk, D), lambda i: (0, i, 0)),
            pl.BlockSpec((blk, 1), lambda i: (i, 0)),
            pl.BlockSpec((D,), lambda i: (0,)),
        ],
        out_specs=pl.BlockSpec((blk, D), lambda i: (i, 0)),
        out_shape=jax.ShapeDtypeStruct((N_NODES, D), jnp.float32),
    )(x, S, dinv, b)


_PAD_EI = np.broadcast_to(
    (N_NODES + np.arange(E_PAD - N_EDGES, dtype=np.int32)
     % (N_PAD - N_NODES))[None, :],
    (2, E_PAD - N_EDGES))


def kernel(x, edge_index, W, b):
    ei = (jnp.concatenate([edge_index, jnp.asarray(_PAD_EI)], axis=1)
          .reshape(2, TCH, CHUNK))
    xp = jnp.pad(x, ((0, N_PAD - N_NODES), (0, 0)))

    cnt_parts = _sc_count(ei)
    dinv = _tc_dinv(cnt_parts)
    h2p = _tc_matmul_scale(xp, W, dinv)
    S = _sc_scatter(h2p, ei)
    return _tc_final(x, S, dinv, b)

# --- scband reference (transcript-rebuilt; emitter-appended) ---
"""Pipeline reference for scband-gcnlayer-55224689492697 (READ-ONLY COPY).

The authoritative reference and input builder live on the scoring server;
editing this copy changes nothing except your own understanding.
"""

import jax, jax.numpy as jnp
import numpy as np

N_NODES = 10000
N_EDGES = 320000
D = 128


def setup_inputs(seed: int = 0) -> dict:
    key = jax.random.key(seed)
    k1, k2, k3 = jax.random.split(key, 3)
    x = jax.random.normal(k1, (N_NODES, D), dtype=jnp.float32)
    edge_index = jax.random.randint(k2, (2, N_EDGES), 0, N_NODES, dtype=jnp.int32)
    # GCNConv learned params: linear weight [in, out] and bias [out]
    W = jax.random.normal(k3, (D, D), dtype=jnp.float32) * (1.0 / np.sqrt(D))
    b = jnp.zeros((D,), dtype=jnp.float32)
    return {"x": x, "edge_index": edge_index, "W": W, "b": b}


def reference(x, edge_index, W, b):
    # GCNLayer.forward with batch_norm=False, activation=None, residual=True,
    # dropout=0.0 (eval mode -> identity).
    N = x.shape[0]
    src = edge_index[0]
    dst = edge_index[1]
    # GCNConv default: add self-loops
    loop = jnp.arange(N, dtype=src.dtype)
    src = jnp.concatenate([src, loop])
    dst = jnp.concatenate([dst, loop])
    # symmetric normalization D^{-1/2} A D^{-1/2} (degree over dst, incl. self-loops)
    ones = jnp.ones(src.shape[0], dtype=x.dtype)
    deg = jax.ops.segment_sum(ones, dst, num_segments=N)
    dinv = jnp.where(deg > 0, jax.lax.rsqrt(deg), 0.0)
    norm = dinv[src] * dinv[dst]
    # linear transform then gather/scatter-add aggregation
    h = x @ W
    msg = h[src] * norm[:, None]
    agg = jax.ops.segment_sum(msg, dst, num_segments=N) + b
    # residual connection (in_channels == out_channels)
    out = x + agg
    return out

if __name__ == "__main__":
    import jax
    _d = setup_inputs()
    print(jax.jit(kernel)(*tuple(_d.values())))

</pallas_src>

<mosaic_0001>
#map = affine_map<(d0, d1) -> (0, 0)>
#map1 = affine_map<(d0, d1) -> (0, 0, 0)>
module attributes {stable_mosaic.version = 14 : i64} {
  func.func @_sc_scatter(%arg0: i32, %arg1: i32, %arg2: memref<10112x128xf32, #tpu.memory_space<hbm>>, %arg3: memref<2x2560x128xi32, #tpu.memory_space<hbm>>, %arg4: memref<2x10112x128xf32, #tpu.memory_space<hbm>>, %arg5: memref<40x128xi32, #tpu.memory_space<vmem>>, %arg6: memref<40x128xi32, #tpu.memory_space<vmem>>, %arg7: memref<2x128x128xf32, #tpu.memory_space<vmem>>, %arg8: memref<10112x128xf32, #tpu.memory_space<vmem_shared>>, %arg9: memref<!tpu.dma_semaphore, #tpu.memory_space<semaphore_mem>>, %arg10: memref<!tpu.dma_semaphore, #tpu.memory_space<semaphore_mem>>) attributes {dimension_semantics = [#tpu.dimension_semantics<core_parallel>, #tpu.dimension_semantics<subcore_parallel>], iteration_bounds = array<i64: 2, 16>, scalar_prefetch = 0 : i64, scratch_operands = 6 : i64, tpu.core_type = #tpu.core_type<sc_vector_subcore>, window_params = [{transform_indices = #map}, {transform_indices = #map1}, {transform_indices = #map1}]} {
    %mul3A = arith.constant 632 : i32
    %mul3A_0 = arith.muli %arg1, %mul3A : i32
    %eq3A = arith.constant 0 : i32
    %eq3A_1 = arith.cmpi eq, %arg0, %eq3A : i32
    %convert_element_type3A = arith.extui %eq3A_1 : i1 to i32
    %cond3A = arith.constant 0 : i32
    %cond3A_2 = arith.cmpi ne, %convert_element_type3A, %cond3A : i32
    scf.if %cond3A_2 {
      "tpu.region"() ({
        %run_scoped3A_66 = tpu.sem_alloc : memref<!tpu.dma_semaphore, #tpu.memory_space<semaphore_mem>>
        %dma_start3A_67 = arith.constant 0 : i32
        %dma_start3A_68 = tpu.memref_slice %arg8[%mul3A_0, %dma_start3A_67] : memref<10112x128xf32, #tpu.memory_space<vmem_shared>> -> memref<632x128xf32, #tpu.memory_space<vmem_shared>>
        %dma_start3A_69 = arith.constant 0 : i32
        %dma_start3A_70 = tpu.memref_slice %arg2[%mul3A_0, %dma_start3A_69] : memref<10112x128xf32, #tpu.memory_space<hbm>> -> memref<632x128xf32, #tpu.memory_space<hbm>>
        tpu.enqueue_dma source(%dma_start3A_70 : memref<632x128xf32, #tpu.memory_space<hbm>>) target(%dma_start3A_68 : memref<632x128xf32, #tpu.memory_space<vmem_shared>>) target_semaphore(%run_scoped3A_66 : memref<!tpu.dma_semaphore, #tpu.memory_space<semaphore_mem>>)
        %dma_wait3A = arith.constant 0 : i32
        %dma_wait3A_71 = tpu.memref_slice %arg8[%mul3A_0, %dma_wait3A] : memref<10112x128xf32, #tpu.memory_space<vmem_shared>> -> memref<632x128xf32, #tpu.memory_space<vmem_shared>>
        %dma_wait3A_72 = arith.constant 0 : i32
        %dma_wait3A_73 = tpu.memref_slice %arg2[%mul3A_0, %dma_wait3A_72] : memref<10112x128xf32, #tpu.memory_space<hbm>> -> memref<632x128xf32, #tpu.memory_space<hbm>>
        tpu.wait_dma2 semaphore(%run_scoped3A_66 : memref<!tpu.dma_semaphore, #tpu.memory_space<semaphore_mem>>) src(%dma_wait3A_73 : memref<632x128xf32, #tpu.memory_space<hbm>>) dst(%dma_wait3A_71 : memref<632x128xf32, #tpu.memory_space<vmem_shared>>)
        tpu.yield
      }) : () -> ()
    } else {
    }
    %eq3A_3 = arith.constant 1 : i32
    %eq3A_4 = arith.cmpi eq, %arg0, %eq3A_3 : i32
    %convert_element_type3A_5 = arith.extui %eq3A_4 : i1 to i32
    %cond3A_6 = arith.constant 0 : i32
    %cond3A_7 = arith.cmpi ne, %convert_element_type3A_5, %cond3A_6 : i32
    scf.if %cond3A_7 {
      %scan3A_66 = arith.constant 0 : i32
      %scan3A_67 = arith.constant 0 : i32
      %scan3A_68 = arith.constant 1024 : i32
      %scan3A_69 = arith.addi %scan3A_67, %scan3A_68 : i32
      %scan3A_70 = arith.constant 1 : i32
      %scan3A_71 = scf.for %scan3A_88 = %scan3A_67 to %scan3A_69 step %scan3A_70 iter_args(%scan3A_89 = %scan3A_66) -> (i32)  : i32 {
        %broadcast_in_dim3A = arith.constant 0.000000e+00 : f32
        %broadcast_in_dim3A_90 = vector.broadcast %broadcast_in_dim3A : f32 to vector<16xf32>
        %jit3A = arith.constant 8 : i32
        %div3A = arith.divsi %scan3A_88, %jit3A : i32
        %sign3A = arith.constant 0 : i32
        %sign3A_91 = arith.cmpi sgt, %scan3A_88, %sign3A : i32
        %sign3A_92 = arith.extui %sign3A_91 : i1 to i32
        %sign3A_93 = arith.constant 0 : i32
        %sign3A_94 = arith.cmpi slt, %scan3A_88, %sign3A_93 : i32
        %sign3A_95 = arith.extui %sign3A_94 : i1 to i32
        %sign3A_96 = arith.subi %sign3A_92, %sign3A_95 : i32
        %sign3A_97 = arith.constant 0 : i32
        %sign3A_98 = arith.cmpi sgt, %jit3A, %sign3A_97 : i32
        %sign3A_99 = arith.extui %sign3A_98 : i1 to i32
        %sign3A_100 = arith.constant 0 : i32
        %sign3A_101 = arith.cmpi slt, %jit3A, %sign3A_100 : i32
        %sign3A_102 = arith.extui %sign3A_101 : i1 to i32
        %sign3A_103 = arith.subi %sign3A_99, %sign3A_102 : i32
        %ne3A = arith.cmpi ne, %sign3A_96, %sign3A_103 : i32
        %rem3A = arith.remsi %scan3A_88, %jit3A : i32
        %ne3A_104 = arith.constant 0 : i32
        %ne3A_105 = arith.cmpi ne, %rem3A, %ne3A_104 : i32
        %and3A = arith.andi %ne3A, %ne3A_105 : i1
        %sub3A = arith.constant 1 : i32
        %sub3A_106 = arith.subi %div3A, %sub3A : i32
        %select_n3A = arith.select %and3A, %sub3A_106, %div3A : i32
        %jit3A_107 = arith.constant 8 : i32
        %eq3A_108 = arith.constant 0 : i32
        %eq3A_109 = arith.cmpi eq, %jit3A_107, %eq3A_108 : i32
        %jit3A_110 = arith.constant 1 : i32
        %select_n3A_111 = arith.select %eq3A_109, %jit3A_110, %jit3A_107 : i32
        %rem3A_112 = arith.remsi %scan3A_88, %select_n3A_111 : i32
        %ne3A_113 = arith.constant 0 : i32
        %ne3A_114 = arith.cmpi ne, %rem3A_112, %ne3A_113 : i32
        %lt3A = arith.constant 0 : i32
        %lt3A_115 = arith.cmpi slt, %rem3A_112, %lt3A : i32
        %lt3A_116 = arith.constant 0 : i32
        %lt3A_117 = arith.cmpi slt, %select_n3A_111, %lt3A_116 : i32
        %ne3A_118 = arith.xori %lt3A_115, %lt3A_117 : i1
        %and3A_119 = arith.andi %ne3A_118, %ne3A_114 : i1
        %add3A_120 = arith.addi %rem3A_112, %select_n3A_111 : i32
        %select_n3A_121 = arith.select %and3A_119, %add3A_120, %rem3A_112 : i32
        %mul3A_122 = arith.constant 16 : i32
        %mul3A_123 = arith.muli %select_n3A_121, %mul3A_122 : i32
        %swap3A = arith.constant 0 : i32
        %swap3A_124 = arith.index_cast %swap3A : i32 to index
        %swap3A_125 = arith.index_cast %select_n3A : i32 to index
        %swap3A_126 = arith.index_cast %mul3A_123 : i32 to index
        %swap3A_127 = tpu.vector_load %arg7[%swap3A_124, %swap3A_125, %swap3A_126] {strides = array<i32>} : memref<2x128x128xf32, #tpu.memory_space<vmem>>, vector<1x1x16xf32>,
        %swap3A_128 = vector.shape_cast %swap3A_127 : vector<1x1x16xf32> to vector<16xf32>
        %swap3A_129 = vector.shape_cast %broadcast_in_dim3A_90 : vector<16xf32> to vector<1x1x16xf32>
        tpu.vector_store %arg7[%swap3A_124, %swap3A_125, %swap3A_126], %swap3A_129 {strides = array<i32>} : memref<2x128x128xf32, #tpu.memory_space<vmem>>, vector<1x1x16xf32>,
        %scan3A_130 = arith.constant 0 : i32
        scf.yield %scan3A_130 : i32
      }
      %scan3A_72 = arith.constant 1024 : i32
      %add3A_73 = arith.constant 0 : i32
      %add3A_74 = arith.addi %mul3A_0, %add3A_73 : i32
      %run_scoped3A_75 = arith.constant 0 : i32
      "tpu.region"() ({
        %run_scoped3A_88 = tpu.sem_alloc : memref<!tpu.dma_semaphore, #tpu.memory_space<semaphore_mem>>
        %dma_start3A_89 = arith.constant 0 : i32
        %dma_start3A_90 = arith.constant 0 : i32
        %dma_start3A_91 = tpu.memref_slice %arg7[%run_scoped3A_75, %dma_start3A_89, %dma_start3A_90] : memref<2x128x128xf32, #tpu.memory_space<vmem>> -> memref<1x128x128xf32, #tpu.memory_space<vmem>>
        %dma_start3A_92 = tpu.memref_squeeze %dma_start3A_91 : memref<1x128x128xf32, #tpu.memory_space<vmem>> -> memref<128x128xf32, #tpu.memory_space<vmem>>
        %dma_start3A_93 = arith.constant 0 : i32
        %dma_start3A_94 = tpu.memref_slice %arg8[%add3A_74, %dma_start3A_93] : memref<10112x128xf32, #tpu.memory_space<vmem_shared>> -> memref<128x128xf32, #tpu.memory_space<vmem_shared>>
        %dma_start3A_95 = arith.constant 0 : i32
        %dma_start3A_96 = tpu.memref_slice %arg8[%add3A_74, %dma_start3A_95] : memref<10112x128xf32, #tpu.memory_space<vmem_shared>> -> memref<128x128xf32, #tpu.memory_space<vmem_shared>>
        %dma_start3A_97 = arith.constant 0 : i32
        %dma_start3A_98 = arith.constant 0 : i32
        %dma_start3A_99 = tpu.memref_slice %arg7[%run_scoped3A_75, %dma_start3A_97, %dma_start3A_98] : memref<2x128x128xf32, #tpu.memory_space<vmem>> -> memref<1x128x128xf32, #tpu.memory_space<vmem>>
        %dma_start3A_100 = tpu.memref_squeeze %dma_start3A_99 : memref<1x128x128xf32, #tpu.memory_space<vmem>> -> memref<128x128xf32, #tpu.memory_space<vmem>>
        tpu.enqueue_dma source(%dma_start3A_100 : memref<128x128xf32, #tpu.memory_space<vmem>>) target(%dma_start3A_96 : memref<128x128xf32, #tpu.memory_space<vmem_shared>>) target_semaphore(%run_scoped3A_88 : memref<!tpu.dma_semaphore, #tpu.memory_space<semaphore_mem>>)
        %dma_wait3A = arith.constant 0 : i32
        %dma_wait3A_101 = arith.constant 0 : i32
        %dma_wait3A_102 = tpu.memref_slice %arg7[%run_scoped3A_75, %dma_wait3A, %dma_wait3A_101] : memref<2x128x128xf32, #tpu.memory_space<vmem>> -> memref<1x128x128xf32, #tpu.memory_space<vmem>>
        %dma_wait3A_103 = tpu.memref_squeeze %dma_wait3A_102 : memref<1x128x128xf32, #tpu.memory_space<vmem>> -> memref<128x128xf32, #tpu.memory_space<vmem>>
        %dma_wait3A_104 = arith.constant 0 : i32
        %dma_wait3A_105 = tpu.memref_slice %arg8[%add3A_74, %dma_wait3A_104] : memref<10112x128xf32, #tpu.memory_space<vmem_shared>> -> memref<128x128xf32, #tpu.memory_space<vmem_shared>>
        %dma_wait3A_106 = arith.constant 0 : i32
        %dma_wait3A_107 = tpu.memref_slice %arg8[%add3A_74, %dma_wait3A_106] : memref<10112x128xf32, #tpu.memory_space<vmem_shared>> -> memref<128x128xf32, #tpu.memory_space<vmem_shared>>
        %dma_wait3A_108 = arith.constant 0 : i32
        %dma_wait3A_109 = arith.constant 0 : i32
        %dma_wait3A_110 = tpu.memref_slice %arg7[%run_scoped3A_75, %dma_wait3A_108, %dma_wait3A_109] : memref<2x128x128xf32, #tpu.memory_space<vmem>> -> memref<1x128x128xf32, #tpu.memory_space<vmem>>
        %dma_wait3A_111 = tpu.memref_squeeze %dma_wait3A_110 : memref<1x128x128xf32, #tpu.memory_space<vmem>> -> memref<128x128xf32, #tpu.memory_space<vmem>>
        tpu.wait_dma2 semaphore(%run_scoped3A_88 : memref<!tpu.dma_semaphore, #tpu.memory_space<semaphore_mem>>) src(%dma_wait3A_111 : memref<128x128xf32, #tpu.memory_space<vmem>>) dst(%dma_wait3A_107 : memref<128x128xf32, #tpu.memory_space<vmem_shared>>)
        tpu.yield
      }) : () -> ()
      %add3A_76 = arith.constant 128 : i32
      %add3A_77 = arith.addi %mul3A_0, %add3A_76 : i32
      %run_scoped3A_78 = arith.constant 0 : i32
      "tpu.region"() ({
        %run_scoped3A_88 = tpu.sem_alloc : memref<!tpu.dma_semaphore, #tpu.memory_space<semaphore_mem>>
        %dma_start3A_89 = arith.constant 0 : i32
        %dma_start3A_90 = arith.constant 0 : i32
        %dma_start3A_91 = tpu.memref_slice %arg7[%run_scoped3A_78, %dma_start3A_89, %dma_start3A_90] : memref<2x128x128xf32, #tpu.memory_space<vmem>> -> memref<1x128x128xf32, #tpu.memory_space<vmem>>
        %dma_start3A_92 = tpu.memref_squeeze %dma_start3A_91 : memref<1x128x128xf32, #tpu.memory_space<vmem>> -> memref<128x128xf32, #tpu.memory_space<vmem>>
        %dma_start3A_93 = arith.constant 0 : i32
        %dma_start3A_94 = tpu.memref_slice %arg8[%add3A_77, %dma_start3A_93] : memref<10112x128xf32, #tpu.memory_space<vmem_shared>> -> memref<128x128xf32, #tpu.memory_space<vmem_shared>>
        %dma_start3A_95 = arith.constant 0 : i32
        %dma_start3A_96 = tpu.memref_slice %arg8[%add3A_77, %dma_start3A_95] : memref<10112x128xf32, #tpu.memory_space<vmem_shared>> -> memref<128x128xf32, #tpu.memory_space<vmem_shared>>
        %dma_start3A_97 = arith.constant 0 : i32
        %dma_start3A_98 = arith.constant 0 : i32
        %dma_start3A_99 = tpu.memref_slice %arg7[%run_scoped3A_78, %dma_start3A_97, %dma_start3A_98] : memref<2x128x128xf32, #tpu.memory_space<vmem>> -> memref<1x128x128xf32, #tpu.memory_space<vmem>>
        %dma_start3A_100 = tpu.memref_squeeze %dma_start3A_99 : memref<1x128x128xf32, #tpu.memory_space<vmem>> -> memref<128x128xf32, #tpu.memory_space<vmem>>
        tpu.enqueue_dma source(%dma_start3A_100 : memref<128x128xf32, #tpu.memory_space<vmem>>) target(%dma_start3A_96 : memref<128x128xf32, #tpu.memory_space<vmem_shared>>) target_semaphore(%run_scoped3A_88 : memref<!tpu.dma_semaphore, #tpu.memory_space<semaphore_mem>>)
        %dma_wait3A = arith.constant 0 : i32
        %dma_wait3A_101 = arith.constant 0 : i32
        %dma_wait3A_102 = tpu.memref_slice %arg7[%run_scoped3A_78, %dma_wait3A, %dma_wait3A_101] : memref<2x128x128xf32, #tpu.memory_space<vmem>> -> memref<1x128x128xf32, #tpu.memory_space<vmem>>
        %dma_wait3A_103 = tpu.memref_squeeze %dma_wait3A_102 : memref<1x128x128xf32, #tpu.memory_space<vmem>> -> memref<128x128xf32, #tpu.memory_space<vmem>>
        %dma_wait3A_104 = arith.constant 0 : i32
        %dma_wait3A_105 = tpu.memref_slice %arg8[%add3A_77, %dma_wait3A_104] : memref<10112x128xf32, #tpu.memory_space<vmem_shared>> -> memref<128x128xf32, #tpu.memory_space<vmem_shared>>
        %dma_wait3A_106 = arith.constant 0 : i32
        %dma_wait3A_107 = tpu.memref_slice %arg8[%add3A_77, %dma_wait3A_106] : memref<10112x128xf32, #tpu.memory_space<vmem_shared>> -> memref<128x128xf32, #tpu.memory_space<vmem_shared>>
        %dma_wait3A_108 = arith.constant 0 : i32
        %dma_wait3A_109 = arith.constant 0 : i32
        %dma_wait3A_110 = tpu.memref_slice %arg7[%run_scoped3A_78, %dma_wait3A_108, %dma_wait3A_109] : memref<2x128x128xf32, #tpu.memory_space<vmem>> -> memref<1x128x128xf32, #tpu.memory_space<vmem>>
        %dma_wait3A_111 = tpu.memref_squeeze %dma_wait3A_110 : memref<1x128x128xf32, #tpu.memory_space<vmem>> -> memref<128x128xf32, #tpu.memory_space<vmem>>
        tpu.wait_dma2 semaphore(%run_scoped3A_88 : memref<!tpu.dma_semaphore, #tpu.memory_space<semaphore_mem>>) src(%dma_wait3A_111 : memref<128x128xf32, #tpu.memory_space<vmem>>) dst(%dma_wait3A_107 : memref<128x128xf32, #tpu.memory_space<vmem_shared>>)
        tpu.yield
      }) : () -> ()
      %add3A_79 = arith.constant 256 : i32
      %add3A_80 = arith.addi %mul3A_0, %add3A_79 : i32
      %run_scoped3A_81 = arith.constant 0 : i32
      "tpu.region"() ({
        %run_scoped3A_88 = tpu.sem_alloc : memref<!tpu.dma_semaphore, #tpu.memory_space<semaphore_mem>>
        %dma_start3A_89 = arith.constant 0 : i32
        %dma_start3A_90 = arith.constant 0 : i32
        %dma_start3A_91 = tpu.memref_slice %arg7[%run_scoped3A_81, %dma_start3A_89, %dma_start3A_90] : memref<2x128x128xf32, #tpu.memory_space<vmem>> -> memref<1x128x128xf32, #tpu.memory_space<vmem>>
        %dma_start3A_92 = tpu.memref_squeeze %dma_start3A_91 : memref<1x128x128xf32, #tpu.memory_space<vmem>> -> memref<128x128xf32, #tpu.memory_space<vmem>>
        %dma_start3A_93 = arith.constant 0 : i32
        %dma_start3A_94 = tpu.memref_slice %arg8[%add3A_80, %dma_start3A_93] : memref<10112x128xf32, #tpu.memory_space<vmem_shared>> -> memref<128x128xf32, #tpu.memory_space<vmem_shared>>
        %dma_start3A_95 = arith.constant 0 : i32
        %dma_start3A_96 = tpu.memref_slice %arg8[%add3A_80, %dma_start3A_95] : memref<10112x128xf32, #tpu.memory_space<vmem_shared>> -> memref<128x128xf32, #tpu.memory_space<vmem_shared>>
        %dma_start3A_97 = arith.constant 0 : i32
        %dma_start3A_98 = arith.constant 0 : i32
        %dma_start3A_99 = tpu.memref_slice %arg7[%run_scoped3A_81, %dma_start3A_97, %dma_start3A_98] : memref<2x128x128xf32, #tpu.memory_space<vmem>> -> memref<1x128x128xf32, #tpu.memory_space<vmem>>
        %dma_start3A_100 = tpu.memref_squeeze %dma_start3A_99 : memref<1x128x128xf32, #tpu.memory_space<vmem>> -> memref<128x128xf32, #tpu.memory_space<vmem>>
        tpu.enqueue_dma source(%dma_start3A_100 : memref<128x128xf32, #tpu.memory_space<vmem>>) target(%dma_start3A_96 : memref<128x128xf32, #tpu.memory_space<vmem_shared>>) target_semaphore(%run_scoped3A_88 : memref<!tpu.dma_semaphore, #tpu.memory_space<semaphore_mem>>)
        %dma_wait3A = arith.constant 0 : i32
        %dma_wait3A_101 = arith.constant 0 : i32
        %dma_wait3A_102 = tpu.memref_slice %arg7[%run_scoped3A_81, %dma_wait3A, %dma_wait3A_101] : memref<2x128x128xf32, #tpu.memory_space<vmem>> -> memref<1x128x128xf32, #tpu.memory_space<vmem>>
        %dma_wait3A_103 = tpu.memref_squeeze %dma_wait3A_102 : memref<1x128x128xf32, #tpu.memory_space<vmem>> -> memref<128x128xf32, #tpu.memory_space<vmem>>
        %dma_wait3A_104 = arith.constant 0 : i32
        %dma_wait3A_105 = tpu.memref_slice %arg8[%add3A_80, %dma_wait3A_104] : memref<10112x128xf32, #tpu.memory_space<vmem_shared>> -> memref<128x128xf32, #tpu.memory_space<vmem_shared>>
        %dma_wait3A_106 = arith.constant 0 : i32
        %dma_wait3A_107 = tpu.memref_slice %arg8[%add3A_80, %dma_wait3A_106] : memref<10112x128xf32, #tpu.memory_space<vmem_shared>> -> memref<128x128xf32, #tpu.memory_space<vmem_shared>>
        %dma_wait3A_108 = arith.constant 0 : i32
        %dma_wait3A_109 = arith.constant 0 : i32
        %dma_wait3A_110 = tpu.memref_slice %arg7[%run_scoped3A_81, %dma_wait3A_108, %dma_wait3A_109] : memref<2x128x128xf32, #tpu.memory_space<vmem>> -> memref<1x128x128xf32, #tpu.memory_space<vmem>>
        %dma_wait3A_111 = tpu.memref_squeeze %dma_wait3A_110 : memref<1x128x128xf32, #tpu.memory_space<vmem>> -> memref<128x128xf32, #tpu.memory_space<vmem>>
        tpu.wait_dma2 semaphore(%run_scoped3A_88 : memref<!tpu.dma_semaphore, #tpu.memory_space<semaphore_mem>>) src(%dma_wait3A_111 : memref<128x128xf32, #tpu.memory_space<vmem>>) dst(%dma_wait3A_107 : memref<128x128xf32, #tpu.memory_space<vmem_shared>>)
        tpu.yield
      }) : () -> ()
      %add3A_82 = arith.constant 384 : i32
      %add3A_83 = arith.addi %mul3A_0, %add3A_82 : i32
      %run_scoped3A_84 = arith.constant 0 : i32
      "tpu.region"() ({
        %run_scoped3A_88 = tpu.sem_alloc : memref<!tpu.dma_semaphore, #tpu.memory_space<semaphore_mem>>
        %dma_start3A_89 = arith.constant 0 : i32
        %dma_start3A_90 = arith.constant 0 : i32
        %dma_start3A_91 = tpu.memref_slice %arg7[%run_scoped3A_84, %dma_start3A_89, %dma_start3A_90] : memref<2x128x128xf32, #tpu.memory_space<vmem>> -> memref<1x128x128xf32, #tpu.memory_space<vmem>>
        %dma_start3A_92 = tpu.memref_squeeze %dma_start3A_91 : memref<1x128x128xf32, #tpu.memory_space<vmem>> -> memref<128x128xf32, #tpu.memory_space<vmem>>
        %dma_start3A_93 = arith.constant 0 : i32
        %dma_start3A_94 = tpu.memref_slice %arg8[%add3A_83, %dma_start3A_93] : memref<10112x128xf32, #tpu.memory_space<vmem_shared>> -> memref<128x128xf32, #tpu.memory_space<vmem_shared>>
        %dma_start3A_95 = arith.constant 0 : i32
        %dma_start3A_96 = tpu.memref_slice %arg8[%add3A_83, %dma_start3A_95] : memref<10112x128xf32, #tpu.memory_space<vmem_shared>> -> memref<128x128xf32, #tpu.memory_space<vmem_shared>>
        %dma_start3A_97 = arith.constant 0 : i32
        %dma_start3A_98 = arith.constant 0 : i32
        %dma_start3A_99 = tpu.memref_slice %arg7[%run_scoped3A_84, %dma_start3A_97, %dma_start3A_98] : memref<2x128x128xf32, #tpu.memory_space<vmem>> -> memref<1x128x128xf32, #tpu.memory_space<vmem>>
        %dma_start3A_100 = tpu.memref_squeeze %dma_start3A_99 : memref<1x128x128xf32, #tpu.memory_space<vmem>> -> memref<128x128xf32, #tpu.memory_space<vmem>>
        tpu.enqueue_dma source(%dma_start3A_100 : memref<128x128xf32, #tpu.memory_space<vmem>>) target(%dma_start3A_96 : memref<128x128xf32, #tpu.memory_space<vmem_shared>>) target_semaphore(%run_scoped3A_88 : memref<!tpu.dma_semaphore, #tpu.memory_space<semaphore_mem>>)
        %dma_wait3A = arith.constant 0 : i32
        %dma_wait3A_101 = arith.constant 0 : i32
        %dma_wait3A_102 = tpu.memref_slice %arg7[%run_scoped3A_84, %dma_wait3A, %dma_wait3A_101] : memref<2x128x128xf32, #tpu.memory_space<vmem>> -> memref<1x128x128xf32, #tpu.memory_space<vmem>>
        %dma_wait3A_103 = tpu.memref_squeeze %dma_wait3A_102 : memref<1x128x128xf32, #tpu.memory_space<vmem>> -> memref<128x128xf32, #tpu.memory_space<vmem>>
        %dma_wait3A_104 = arith.constant 0 : i32
        %dma_wait3A_105 = tpu.memref_slice %arg8[%add3A_83, %dma_wait3A_104] : memref<10112x128xf32, #tpu.memory_space<vmem_shared>> -> memref<128x128xf32, #tpu.memory_space<vmem_shared>>
        %dma_wait3A_106 = arith.constant 0 : i32
        %dma_wait3A_107 = tpu.memref_slice %arg8[%add3A_83, %dma_wait3A_106] : memref<10112x128xf32, #tpu.memory_space<vmem_shared>> -> memref<128x128xf32, #tpu.memory_space<vmem_shared>>
        %dma_wait3A_108 = arith.constant 0 : i32
        %dma_wait3A_109 = arith.constant 0 : i32
        %dma_wait3A_110 = tpu.memref_slice %arg7[%run_scoped3A_84, %dma_wait3A_108, %dma_wait3A_109] : memref<2x128x128xf32, #tpu.memory_space<vmem>> -> memref<1x128x128xf32, #tpu.memory_space<vmem>>
        %dma_wait3A_111 = tpu.memref_squeeze %dma_wait3A_110 : memref<1x128x128xf32, #tpu.memory_space<vmem>> -> memref<128x128xf32, #tpu.memory_space<vmem>>
        tpu.wait_dma2 semaphore(%run_scoped3A_88 : memref<!tpu.dma_semaphore, #tpu.memory_space<semaphore_mem>>) src(%dma_wait3A_111 : memref<128x128xf32, #tpu.memory_space<vmem>>) dst(%dma_wait3A_107 : memref<128x128xf32, #tpu.memory_space<vmem_shared>>)
        tpu.yield
      }) : () -> ()
      %add3A_85 = arith.constant 512 : i32
      %add3A_86 = arith.addi %mul3A_0, %add3A_85 : i32
      %run_scoped3A_87 = arith.constant 0 : i32
      "tpu.region"() ({
        %run_scoped3A_88 = tpu.sem_alloc : memref<!tpu.dma_semaphore, #tpu.memory_space<semaphore_mem>>
        %dma_start3A_89 = arith.constant 0 : i32
        %dma_start3A_90 = arith.constant 0 : i32
        %dma_start3A_91 = tpu.memref_slice %arg7[%run_scoped3A_87, %dma_start3A_89, %dma_start3A_90] : memref<2x128x128xf32, #tpu.memory_space<vmem>> -> memref<1x120x128xf32, #tpu.memory_space<vmem>>
        %dma_start3A_92 = tpu.memref_squeeze %dma_start3A_91 : memref<1x120x128xf32, #tpu.memory_space<vmem>> -> memref<120x128xf32, #tpu.memory_space<vmem>>
        %dma_start3A_93 = arith.constant 0 : i32
        %dma_start3A_94 = tpu.memref_slice %arg8[%add3A_86, %dma_start3A_93] : memref<10112x128xf32, #tpu.memory_space<vmem_shared>> -> memref<120x128xf32, #tpu.memory_space<vmem_shared>>
        %dma_start3A_95 = arith.constant 0 : i32
        %dma_start3A_96 = tpu.memref_slice %arg8[%add3A_86, %dma_start3A_95] : memref<10112x128xf32, #tpu.memory_space<vmem_shared>> -> memref<120x128xf32, #tpu.memory_space<vmem_shared>>
        %dma_start3A_97 = arith.constant 0 : i32
        %dma_start3A_98 = arith.constant 0 : i32
        %dma_start3A_99 = tpu.memref_slice %arg7[%run_scoped3A_87, %dma_start3A_97, %dma_start3A_98] : memref<2x128x128xf32, #tpu.memory_space<vmem>> -> memref<1x120x128xf32, #tpu.memory_space<vmem>>
        %dma_start3A_100 = tpu.memref_squeeze %dma_start3A_99 : memref<1x120x128xf32, #tpu.memory_space<vmem>> -> memref<120x128xf32, #tpu.memory_space<vmem>>
        tpu.enqueue_dma source(%dma_start3A_100 : memref<120x128xf32, #tpu.memory_space<vmem>>) target(%dma_start3A_96 : memref<120x128xf32, #tpu.memory_space<vmem_shared>>) target_semaphore(%run_scoped3A_88 : memref<!tpu.dma_semaphore, #tpu.memory_space<semaphore_mem>>)
        %dma_wait3A = arith.constant 0 : i32
        %dma_wait3A_101 = arith.constant 0 : i32
        %dma_wait3A_102 = tpu.memref_slice %arg7[%run_scoped3A_87, %dma_wait3A, %dma_wait3A_101] : memref<2x128x128xf32, #tpu.memory_space<vmem>> -> memref<1x120x128xf32, #tpu.memory_space<vmem>>
        %dma_wait3A_103 = tpu.memref_squeeze %dma_wait3A_102 : memref<1x120x128xf32, #tpu.memory_space<vmem>> -> memref<120x128xf32, #tpu.memory_space<vmem>>
        %dma_wait3A_104 = arith.constant 0 : i32
        %dma_wait3A_105 = tpu.memref_slice %arg8[%add3A_86, %dma_wait3A_104] : memref<10112x128xf32, #tpu.memory_space<vmem_shared>> -> memref<120x128xf32, #tpu.memory_space<vmem_shared>>
        %dma_wait3A_106 = arith.constant 0 : i32
        %dma_wait3A_107 = tpu.memref_slice %arg8[%add3A_86, %dma_wait3A_106] : memref<10112x128xf32, #tpu.memory_space<vmem_shared>> -> memref<120x128xf32, #tpu.memory_space<vmem_shared>>
        %dma_wait3A_108 = arith.constant 0 : i32
        %dma_wait3A_109 = arith.constant 0 : i32
        %dma_wait3A_110 = tpu.memref_slice %arg7[%run_scoped3A_87, %dma_wait3A_108, %dma_wait3A_109] : memref<2x128x128xf32, #tpu.memory_space<vmem>> -> memref<1x120x128xf32, #tpu.memory_space<vmem>>
        %dma_wait3A_111 = tpu.memref_squeeze %dma_wait3A_110 : memref<1x120x128xf32, #tpu.memory_space<vmem>> -> memref<120x128xf32, #tpu.memory_space<vmem>>
        tpu.wait_dma2 semaphore(%run_scoped3A_88 : memref<!tpu.dma_semaphore, #tpu.memory_space<semaphore_mem>>) src(%dma_wait3A_111 : memref<120x128xf32, #tpu.memory_space<vmem>>) dst(%dma_wait3A_107 : memref<120x128xf32, #tpu.memory_space<vmem_shared>>)
        tpu.yield
      }) : () -> ()
    } else {
    }
    %barrier3A = arith.constant 0 : index
    tpu.barrier barrier_id(%barrier3A)
    %mul3A_8 = arith.constant 2 : i32
    %mul3A_9 = arith.muli %arg1, %mul3A_8 : i32
    %add3A = arith.addi %mul3A_9, %arg0 : i32
    %mul3A_10 = arith.constant 80 : i32
    %mul3A_11 = arith.muli %add3A, %mul3A_10 : i32
    %add3A_12 = arith.constant 0 : i32
    %add3A_13 = arith.addi %mul3A_11, %add3A_12 : i32
    %run_scoped3A = arith.constant 0 : i32
    "tpu.region"() ({
      %run_scoped3A_66 = tpu.sem_alloc : memref<!tpu.dma_semaphore, #tpu.memory_space<semaphore_mem>>
      %dma_start3A_67 = arith.constant 0 : i32
      %dma_start3A_68 = arith.constant 0 : i32
      %dma_start3A_69 = tpu.memref_slice %arg5[%dma_start3A_67, %dma_start3A_68] : memref<40x128xi32, #tpu.memory_space<vmem>> -> memref<40x128xi32, #tpu.memory_space<vmem>>
      %dma_start3A_70 = arith.constant 0 : i32
      %dma_start3A_71 = tpu.memref_slice %arg3[%run_scoped3A, %add3A_13, %dma_start3A_70] : memref<2x2560x128xi32, #tpu.memory_space<hbm>> -> memref<1x40x128xi32, #tpu.memory_space<hbm>>
      %dma_start3A_72 = tpu.memref_squeeze %dma_start3A_71 : memref<1x40x128xi32, #tpu.memory_space<hbm>> -> memref<40x128xi32, #tpu.memory_space<hbm>>
      %dma_start3A_73 = arith.constant 0 : i32
      %dma_start3A_74 = arith.constant 0 : i32
      %dma_start3A_75 = tpu.memref_slice %arg5[%dma_start3A_73, %dma_start3A_74] : memref<40x128xi32, #tpu.memory_space<vmem>> -> memref<40x128xi32, #tpu.memory_space<vmem>>
      %dma_start3A_76 = arith.constant 0 : i32
      %dma_start3A_77 = tpu.memref_slice %arg3[%run_scoped3A, %add3A_13, %dma_start3A_76] : memref<2x2560x128xi32, #tpu.memory_space<hbm>> -> memref<1x40x128xi32, #tpu.memory_space<hbm>>
      %dma_start3A_78 = tpu.memref_squeeze %dma_start3A_77 : memref<1x40x128xi32, #tpu.memory_space<hbm>> -> memref<40x128xi32, #tpu.memory_space<hbm>>
      tpu.enqueue_dma source(%dma_start3A_78 : memref<40x128xi32, #tpu.memory_space<hbm>>) target(%dma_start3A_75 : memref<40x128xi32, #tpu.memory_space<vmem>>) target_semaphore(%run_scoped3A_66 : memref<!tpu.dma_semaphore, #tpu.memory_space<semaphore_mem>>)
      %dma_wait3A = arith.constant 0 : i32
      %dma_wait3A_79 = arith.constant 0 : i32
      %dma_wait3A_80 = tpu.memref_slice %arg5[%dma_wait3A, %dma_wait3A_79] : memref<40x128xi32, #tpu.memory_space<vmem>> -> memref<40x128xi32, #tpu.memory_space<vmem>>
      %dma_wait3A_81 = arith.constant 0 : i32
      %dma_wait3A_82 = tpu.memref_slice %arg3[%run_scoped3A, %add3A_13, %dma_wait3A_81] : memref<2x2560x128xi32, #tpu.memory_space<hbm>> -> memref<1x40x128xi32, #tpu.memory_space<hbm>>
      %dma_wait3A_83 = tpu.memref_squeeze %dma_wait3A_82 : memref<1x40x128xi32, #tpu.memory_space<hbm>> -> memref<40x128xi32, #tpu.memory_space<hbm>>
      %dma_wait3A_84 = arith.constant 0 : i32
      %dma_wait3A_85 = arith.constant 0 : i32
      %dma_wait3A_86 = tpu.memref_slice %arg5[%dma_wait3A_84, %dma_wait3A_85] : memref<40x128xi32, #tpu.memory_space<vmem>> -> memref<40x128xi32, #tpu.memory_space<vmem>>
      %dma_wait3A_87 = arith.constant 0 : i32
      %dma_wait3A_88 = tpu.memref_slice %arg3[%run_scoped3A, %add3A_13, %dma_wait3A_87] : memref<2x2560x128xi32, #tpu.memory_space<hbm>> -> memref<1x40x128xi32, #tpu.memory_space<hbm>>
      %dma_wait3A_89 = tpu.memref_squeeze %dma_wait3A_88 : memref<1x40x128xi32, #tpu.memory_space<hbm>> -> memref<40x128xi32, #tpu.memory_space<hbm>>
      tpu.wait_dma2 semaphore(%run_scoped3A_66 : memref<!tpu.dma_semaphore, #tpu.memory_space<semaphore_mem>>) src(%dma_wait3A_89 : memref<40x128xi32, #tpu.memory_space<hbm>>) dst(%dma_wait3A_86 : memref<40x128xi32, #tpu.memory_space<vmem>>)
      tpu.yield
    }) : () -> ()
    %mul3A_14 = arith.constant 80 : i32
    %mul3A_15 = arith.muli %add3A, %mul3A_14 : i32
    %add3A_16 = arith.constant 0 : i32
    %add3A_17 = arith.addi %mul3A_15, %add3A_16 : i32
    %run_scoped3A_18 = arith.constant 1 : i32
    "tpu.region"() ({
      %run_scoped3A_66 = tpu.sem_alloc : memref<!tpu.dma_semaphore, #tpu.memory_space<semaphore_mem>>
      %dma_start3A_67 = arith.constant 0 : i32
      %dma_start3A_68 = arith.constant 0 : i32
      %dma_start3A_69 = tpu.memref_slice %arg6[%dma_start3A_67, %dma_start3A_68] : memref<40x128xi32, #tpu.memory_space<vmem>> -> memref<40x128xi32, #tpu.memory_space<vmem>>
      %dma_start3A_70 = arith.constant 0 : i32
      %dma_start3A_71 = tpu.memref_slice %arg3[%run_scoped3A_18, %add3A_17, %dma_start3A_70] : memref<2x2560x128xi32, #tpu.memory_space<hbm>> -> memref<1x40x128xi32, #tpu.memory_space<hbm>>
      %dma_start3A_72 = tpu.memref_squeeze %dma_start3A_71 : memref<1x40x128xi32, #tpu.memory_space<hbm>> -> memref<40x128xi32, #tpu.memory_space<hbm>>
      %dma_start3A_73 = arith.constant 0 : i32
      %dma_start3A_74 = arith.constant 0 : i32
      %dma_start3A_75 = tpu.memref_slice %arg6[%dma_start3A_73, %dma_start3A_74] : memref<40x128xi32, #tpu.memory_space<vmem>> -> memref<40x128xi32, #tpu.memory_space<vmem>>
      %dma_start3A_76 = arith.constant 0 : i32
      %dma_start3A_77 = tpu.memref_slice %arg3[%run_scoped3A_18, %add3A_17, %dma_start3A_76] : memref<2x2560x128xi32, #tpu.memory_space<hbm>> -> memref<1x40x128xi32, #tpu.memory_space<hbm>>
      %dma_start3A_78 = tpu.memref_squeeze %dma_start3A_77 : memref<1x40x128xi32, #tpu.memory_space<hbm>> -> memref<40x128xi32, #tpu.memory_space<hbm>>
      tpu.enqueue_dma source(%dma_start3A_78 : memref<40x128xi32, #tpu.memory_space<hbm>>) target(%dma_start3A_75 : memref<40x128xi32, #tpu.memory_space<vmem>>) target_semaphore(%run_scoped3A_66 : memref<!tpu.dma_semaphore, #tpu.memory_space<semaphore_mem>>)
      %dma_wait3A = arith.constant 0 : i32
      %dma_wait3A_79 = arith.constant 0 : i32
      %dma_wait3A_80 = tpu.memref_slice %arg6[%dma_wait3A, %dma_wait3A_79] : memref<40x128xi32, #tpu.memory_space<vmem>> -> memref<40x128xi32, #tpu.memory_space<vmem>>
      %dma_wait3A_81 = arith.constant 0 : i32
      %dma_wait3A_82 = tpu.memref_slice %arg3[%run_scoped3A_18, %add3A_17, %dma_wait3A_81] : memref<2x2560x128xi32, #tpu.memory_space<hbm>> -> memref<1x40x128xi32, #tpu.memory_space<hbm>>
      %dma_wait3A_83 = tpu.memref_squeeze %dma_wait3A_82 : memref<1x40x128xi32, #tpu.memory_space<hbm>> -> memref<40x128xi32, #tpu.memory_space<hbm>>
      %dma_wait3A_84 = arith.constant 0 : i32
      %dma_wait3A_85 = arith.constant 0 : i32
      %dma_wait3A_86 = tpu.memref_slice %arg6[%dma_wait3A_84, %dma_wait3A_85] : memref<40x128xi32, #tpu.memory_space<vmem>> -> memref<40x128xi32, #tpu.memory_space<vmem>>
      %dma_wait3A_87 = arith.constant 0 : i32
      %dma_wait3A_88 = tpu.memref_slice %arg3[%run_scoped3A_18, %add3A_17, %dma_wait3A_87] : memref<2x2560x128xi32, #tpu.memory_space<hbm>> -> memref<1x40x128xi32, #tpu.memory_space<hbm>>
      %dma_wait3A_89 = tpu.memref_squeeze %dma_wait3A_88 : memref<1x40x128xi32, #tpu.memory_space<hbm>> -> memref<40x128xi32, #tpu.memory_space<hbm>>
      tpu.wait_dma2 semaphore(%run_scoped3A_66 : memref<!tpu.dma_semaphore, #tpu.memory_space<semaphore_mem>>) src(%dma_wait3A_89 : memref<40x128xi32, #tpu.memory_space<hbm>>) dst(%dma_wait3A_86 : memref<40x128xi32, #tpu.memory_space<vmem>>)
      tpu.yield
    }) : () -> ()
    %dma_start3A = arith.constant 0 : i32
    %dma_start3A_19 = arith.constant 0 : i32
    %dma_start3A_20 = arith.constant 0 : i32
    %dma_start3A_21 = arith.constant 0 : i32
    %dma_start3A_22 = tpu.memref_slice %arg7[%dma_start3A_19, %dma_start3A_20, %dma_start3A_21] : memref<2x128x128xf32, #tpu.memory_space<vmem>> -> memref<1x128x128xf32, #tpu.memory_space<vmem>>
    %dma_start3A_23 = tpu.memref_squeeze %dma_start3A_22 : memref<1x128x128xf32, #tpu.memory_space<vmem>> -> memref<128x128xf32, #tpu.memory_space<vmem>>
    %dma_start3A_24 = arith.constant 0 : i32
    %dma_start3A_25 = tpu.memref_slice %arg5[%dma_start3A, %dma_start3A_24] : memref<40x128xi32, #tpu.memory_space<vmem>> -> memref<1x128xi32, #tpu.memory_space<vmem>>
    %dma_start3A_26 = tpu.memref_squeeze %dma_start3A_25 : memref<1x128xi32, #tpu.memory_space<vmem>> -> memref<128xi32, #tpu.memory_space<vmem>>
    %dma_start3A_27 = arith.constant 0 : i32
    %dma_start3A_28 = arith.constant 0 : i32
    %dma_start3A_29 = tpu.memref_slice %arg2[%dma_start3A_27, %dma_start3A_28] : memref<10112x128xf32, #tpu.memory_space<hbm>> -> memref<10112x128xf32, #tpu.memory_space<hbm>>
    tpu.enqueue_indirect_dma source(%dma_start3A_29 : memref<10112x128xf32, #tpu.memory_space<hbm>>) target(%dma_start3A_23 : memref<128x128xf32, #tpu.memory_space<vmem>>) offsets(%dma_start3A_26 : memref<128xi32, #tpu.memory_space<vmem>>) semaphore(%arg9 : memref<!tpu.dma_semaphore, #tpu.memory_space<semaphore_mem>>)
    %scan3A = arith.constant 0 : i32
    %scan3A_30 = arith.constant 0 : i32
    %scan3A_31 = arith.constant 20 : i32
    %scan3A_32 = arith.addi %scan3A_30, %scan3A_31 : i32
    %scan3A_33 = arith.constant 1 : i32
    %scan3A_34 = scf.for %scan3A_66 = %scan3A_30 to %scan3A_32 step %scan3A_33 iter_args(%scan3A_67 = %scan3A) -> (i32)  : i32 {
      %mul3A_68 = arith.constant 2 : i32
      %mul3A_69 = arith.muli %mul3A_68, %scan3A_66 : i32
      %add3A_70 = arith.constant 1 : i32
      %add3A_71 = arith.addi %mul3A_69, %add3A_70 : i32
      %lt3A = arith.constant 40 : i32
      %lt3A_72 = arith.cmpi slt, %add3A_71, %lt3A : i32
      %convert_element_type3A_73 = arith.extui %lt3A_72 : i1 to i32
      %cond3A_74 = arith.constant 0 : i32
      %cond3A_75 = arith.cmpi ne, %convert_element_type3A_73, %cond3A_74 : i32
      scf.if %cond3A_75 {
        %add3A_106 = arith.constant 1 : i32
        %add3A_107 = arith.addi %mul3A_69, %add3A_106 : i32
        %dma_start3A_108 = arith.constant 1 : i32
        %dma_start3A_109 = arith.constant 0 : i32
        %dma_start3A_110 = arith.constant 0 : i32
        %dma_start3A_111 = tpu.memref_slice %arg7[%dma_start3A_108, %dma_start3A_109, %dma_start3A_110] : memref<2x128x128xf32, #tpu.memory_space<vmem>> -> memref<1x128x128xf32, #tpu.memory_space<vmem>>
        %dma_start3A_112 = tpu.memref_squeeze %dma_start3A_111 : memref<1x128x128xf32, #tpu.memory_space<vmem>> -> memref<128x128xf32, #tpu.memory_space<vmem>>
        %dma_start3A_113 = arith.constant 0 : i32
        %dma_start3A_114 = tpu.memref_slice %arg5[%add3A_107, %dma_start3A_113] : memref<40x128xi32, #tpu.memory_space<vmem>> -> memref<1x128xi32, #tpu.memory_space<vmem>>
        %dma_start3A_115 = tpu.memref_squeeze %dma_start3A_114 : memref<1x128xi32, #tpu.memory_space<vmem>> -> memref<128xi32, #tpu.memory_space<vmem>>
        %dma_start3A_116 = arith.constant 0 : i32
        %dma_start3A_117 = arith.constant 0 : i32
        %dma_start3A_118 = tpu.memref_slice %arg2[%dma_start3A_116, %dma_start3A_117] : memref<10112x128xf32, #tpu.memory_space<hbm>> -> memref<10112x128xf32, #tpu.memory_space<hbm>>
        tpu.enqueue_indirect_dma source(%dma_start3A_118 : memref<10112x128xf32, #tpu.memory_space<hbm>>) target(%dma_start3A_112 : memref<128x128xf32, #tpu.memory_space<vmem>>) offsets(%dma_start3A_115 : memref<128xi32, #tpu.memory_space<vmem>>) semaphore(%arg10 : memref<!tpu.dma_semaphore, #tpu.memory_space<semaphore_mem>>)
      } else {
      }
      %dma_wait3A = arith.constant 0 : i32
      %dma_wait3A_76 = arith.constant 0 : i32
      %dma_wait3A_77 = arith.constant 0 : i32
      %dma_wait3A_78 = tpu.memref_slice %arg7[%dma_wait3A, %dma_wait3A_76, %dma_wait3A_77] : memref<2x128x128xf32, #tpu.memory_space<vmem>> -> memref<1x128x128xf32, #tpu.memory_space<vmem>>
      %dma_wait3A_79 = tpu.memref_squeeze %dma_wait3A_78 : memref<1x128x128xf32, #tpu.memory_space<vmem>> -> memref<128x128xf32, #tpu.memory_space<vmem>>
      %dma_wait3A_80 = arith.constant 0 : i32
      %dma_wait3A_81 = arith.constant 0 : i32
      %dma_wait3A_82 = tpu.memref_slice %arg2[%dma_wait3A_80, %dma_wait3A_81] : memref<10112x128xf32, #tpu.memory_space<hbm>> -> memref<128x128xf32, #tpu.memory_space<hbm>>
      %dma_wait3A_83 = arith.constant 0 : i32
      %dma_wait3A_84 = arith.constant 0 : i32
      %dma_wait3A_85 = tpu.memref_slice %arg7[%dma_wait3A, %dma_wait3A_83, %dma_wait3A_84] : memref<2x128x128xf32, #tpu.memory_space<vmem>> -> memref<1x128x128xf32, #tpu.memory_space<vmem>>
      %dma_wait3A_86 = tpu.memref_squeeze %dma_wait3A_85 : memref<1x128x128xf32, #tpu.memory_space<vmem>> -> memref<128x128xf32, #tpu.memory_space<vmem>>
      %dma_wait3A_87 = arith.constant 0 : i32
      %dma_wait3A_88 = arith.constant 0 : i32
      %dma_wait3A_89 = tpu.memref_slice %arg2[%dma_wait3A_87, %dma_wait3A_88] : memref<10112x128xf32, #tpu.memory_space<hbm>> -> memref<128x128xf32, #tpu.memory_space<hbm>>
      tpu.wait_dma2 semaphore(%arg9 : memref<!tpu.dma_semaphore, #tpu.memory_space<semaphore_mem>>) src(%dma_wait3A_89 : memref<128x128xf32, #tpu.memory_space<hbm>>) dst(%dma_wait3A_86 : memref<128x128xf32, #tpu.memory_space<vmem>>)
      %run_scoped3A_90 = arith.constant 0 : i32
      "tpu.region"() ({
        %run_scoped3A_106 = tpu.sem_alloc : memref<!tpu.dma_semaphore, #tpu.memory_space<semaphore_mem>>
        %dma_start3A_107 = arith.constant 0 : i32
        %dma_start3A_108 = arith.constant 0 : i32
        %dma_start3A_109 = tpu.memref_slice %arg7[%run_scoped3A_90, %dma_start3A_107, %dma_start3A_108] : memref<2x128x128xf32, #tpu.memory_space<vmem>> -> memref<1x128x128xf32, #tpu.memory_space<vmem>>
        %dma_start3A_110 = tpu.memref_squeeze %dma_start3A_109 : memref<1x128x128xf32, #tpu.memory_space<vmem>> -> memref<128x128xf32, #tpu.memory_space<vmem>>
        %dma_start3A_111 = arith.constant 0 : i32
        %dma_start3A_112 = tpu.memref_slice %arg6[%mul3A_69, %dma_start3A_111] : memref<40x128xi32, #tpu.memory_space<vmem>> -> memref<1x128xi32, #tpu.memory_space<vmem>>
        %dma_start3A_113 = tpu.memref_squeeze %dma_start3A_112 : memref<1x128xi32, #tpu.memory_space<vmem>> -> memref<128xi32, #tpu.memory_space<vmem>>
        %dma_start3A_114 = arith.constant 0 : i32
        %dma_start3A_115 = arith.constant 0 : i32
        %dma_start3A_116 = tpu.memref_slice %arg8[%dma_start3A_114, %dma_start3A_115] : memref<10112x128xf32, #tpu.memory_space<vmem_shared>> -> memref<10112x128xf32, #tpu.memory_space<vmem_shared>>
        tpu.enqueue_indirect_dma source(%dma_start3A_110 : memref<128x128xf32, #tpu.memory_space<vmem>>) target(%dma_start3A_116 : memref<10112x128xf32, #tpu.memory_space<vmem_shared>>) offsets(%dma_start3A_113 : memref<128xi32, #tpu.memory_space<vmem>>) semaphore(%run_scoped3A_106 : memref<!tpu.dma_semaphore, #tpu.memory_space<semaphore_mem>>) {add = true}
        %dma_wait3A_117 = arith.constant 0 : i32
        %dma_wait3A_118 = arith.constant 0 : i32
        %dma_wait3A_119 = tpu.memref_slice %arg7[%run_scoped3A_90, %dma_wait3A_117, %dma_wait3A_118] : memref<2x128x128xf32, #tpu.memory_space<vmem>> -> memref<1x128x128xf32, #tpu.memory_space<vmem>>
        %dma_wait3A_120 = tpu.memref_squeeze %dma_wait3A_119 : memref<1x128x128xf32, #tpu.memory_space<vmem>> -> memref<128x128xf32, #tpu.memory_space<vmem>>
        %dma_wait3A_121 = arith.constant 0 : i32
        %dma_wait3A_122 = tpu.memref_slice %arg6[%mul3A_69, %dma_wait3A_121] : memref<40x128xi32, #tpu.memory_space<vmem>> -> memref<1x128xi32, #tpu.memory_space<vmem>>
        %dma_wait3A_123 = tpu.memref_squeeze %dma_wait3A_122 : memref<1x128xi32, #tpu.memory_space<vmem>> -> memref<128xi32, #tpu.memory_space<vmem>>
        %dma_wait3A_124 = arith.constant 0 : i32
        %dma_wait3A_125 = arith.constant 0 : i32
        %dma_wait3A_126 = tpu.memref_slice %arg8[%dma_wait3A_124, %dma_wait3A_125] : memref<10112x128xf32, #tpu.memory_space<vmem_shared>> -> memref<10112x128xf32, #tpu.memory_space<vmem_shared>>
        tpu.wait_indirect_dma semaphore(%run_scoped3A_106 : memref<!tpu.dma_semaphore, #tpu.memory_space<semaphore_mem>>) src(%dma_wait3A_120 : memref<128x128xf32, #tpu.memory_space<vmem>>) dst(%dma_wait3A_126 : memref<10112x128xf32, #tpu.memory_space<vmem_shared>>)
        tpu.yield
      }) : () -> ()
      %add3A_91 = arith.constant 2 : i32
      %add3A_92 = arith.addi %mul3A_69, %add3A_91 : i32
      %lt3A_93 = arith.constant 40 : i32
      %lt3A_94 = arith.cmpi slt, %add3A_92, %lt3A_93 : i32
      %convert_element_type3A_95 = arith.extui %lt3A_94 : i1 to i32
      %cond3A_96 = arith.constant 0 : i32
      %cond3A_97 = arith.cmpi ne, %convert_element_type3A_95, %cond3A_96 : i32
      scf.if %cond3A_97 {
        %add3A_106 = arith.constant 2 : i32
        %add3A_107 = arith.addi %mul3A_69, %add3A_106 : i32
        %dma_start3A_108 = arith.constant 0 : i32
        %dma_start3A_109 = arith.constant 0 : i32
        %dma_start3A_110 = arith.constant 0 : i32
        %dma_start3A_111 = tpu.memref_slice %arg7[%dma_start3A_108, %dma_start3A_109, %dma_start3A_110] : memref<2x128x128xf32, #tpu.memory_space<vmem>> -> memref<1x128x128xf32, #tpu.memory_space<vmem>>
        %dma_start3A_112 = tpu.memref_squeeze %dma_start3A_111 : memref<1x128x128xf32, #tpu.memory_space<vmem>> -> memref<128x128xf32, #tpu.memory_space<vmem>>
        %dma_start3A_113 = arith.constant 0 : i32
        %dma_start3A_114 = tpu.memref_slice %arg5[%add3A_107, %dma_start3A_113] : memref<40x128xi32, #tpu.memory_space<vmem>> -> memref<1x128xi32, #tpu.memory_space<vmem>>
        %dma_start3A_115 = tpu.memref_squeeze %dma_start3A_114 : memref<1x128xi32, #tpu.memory_space<vmem>> -> memref<128xi32, #tpu.memory_space<vmem>>
        %dma_start3A_116 = arith.constant 0 : i32
        %dma_start3A_117 = arith.constant 0 : i32
        %dma_start3A_118 = tpu.memref_slice %arg2[%dma_start3A_116, %dma_start3A_117] : memref<10112x128xf32, #tpu.memory_space<hbm>> -> memref<10112x128xf32, #tpu.memory_space<hbm>>
        tpu.enqueue_indirect_dma source(%dma_start3A_118 : memref<10112x128xf32, #tpu.memory_space<hbm>>) target(%dma_start3A_112 : memref<128x128xf32, #tpu.memory_space<vmem>>) offsets(%dma_start3A_115 : memref<128xi32, #tpu.memory_space<vmem>>) semaphore(%arg9 : memref<!tpu.dma_semaphore, #tpu.memory_space<semaphore_mem>>)
      } else {
      }
      %add3A_98 = arith.constant 1 : i32
      %add3A_99 = arith.addi %mul3A_69, %add3A_98 : i32
      %lt3A_100 = arith.constant 40 : i32
      %lt3A_101 = arith.cmpi slt, %add3A_99, %lt3A_100 : i32
      %convert_element_type3A_102 = arith.extui %lt3A_101 : i1 to i32
      %cond3A_103 = arith.constant 0 : i32
      %cond3A_104 = arith.cmpi ne, %convert_element_type3A_102, %cond3A_103 : i32
      scf.if %cond3A_104 {
        %dma_wait3A_106 = arith.constant 1 : i32
        %dma_wait3A_107 = arith.constant 0 : i32
        %dma_wait3A_108 = arith.constant 0 : i32
        %dma_wait3A_109 = tpu.memref_slice %arg7[%dma_wait3A_106, %dma_wait3A_107, %dma_wait3A_108] : memref<2x128x128xf32, #tpu.memory_space<vmem>> -> memref<1x128x128xf32, #tpu.memory_space<vmem>>
        %dma_wait3A_110 = tpu.memref_squeeze %dma_wait3A_109 : memref<1x128x128xf32, #tpu.memory_space<vmem>> -> memref<128x128xf32, #tpu.memory_space<vmem>>
        %dma_wait3A_111 = arith.constant 0 : i32
        %dma_wait3A_112 = arith.constant 0 : i32
        %dma_wait3A_113 = tpu.memref_slice %arg2[%dma_wait3A_111, %dma_wait3A_112] : memref<10112x128xf32, #tpu.memory_space<hbm>> -> memref<128x128xf32, #tpu.memory_space<hbm>>
        %dma_wait3A_114 = arith.constant 0 : i32
        %dma_wait3A_115 = arith.constant 0 : i32
        %dma_wait3A_116 = tpu.memref_slice %arg7[%dma_wait3A_106, %dma_wait3A_114, %dma_wait3A_115] : memref<2x128x128xf32, #tpu.memory_space<vmem>> -> memref<1x128x128xf32, #tpu.memory_space<vmem>>
        %dma_wait3A_117 = tpu.memref_squeeze %dma_wait3A_116 : memref<1x128x128xf32, #tpu.memory_space<vmem>> -> memref<128x128xf32, #tpu.memory_space<vmem>>
        %dma_wait3A_118 = arith.constant 0 : i32
        %dma_wait3A_119 = arith.constant 0 : i32
        %dma_wait3A_120 = tpu.memref_slice %arg2[%dma_wait3A_118, %dma_wait3A_119] : memref<10112x128xf32, #tpu.memory_space<hbm>> -> memref<128x128xf32, #tpu.memory_space<hbm>>
        tpu.wait_dma2 semaphore(%arg10 : memref<!tpu.dma_semaphore, #tpu.memory_space<semaphore_mem>>) src(%dma_wait3A_120 : memref<128x128xf32, #tpu.memory_space<hbm>>) dst(%dma_wait3A_117 : memref<128x128xf32, #tpu.memory_space<vmem>>)
        %add3A_121 = arith.constant 1 : i32
        %add3A_122 = arith.addi %mul3A_69, %add3A_121 : i32
        %run_scoped3A_123 = arith.constant 1 : i32
        "tpu.region"() ({
          %run_scoped3A_124 = tpu.sem_alloc : memref<!tpu.dma_semaphore, #tpu.memory_space<semaphore_mem>>
          %dma_start3A_125 = arith.constant 0 : i32
          %dma_start3A_126 = arith.constant 0 : i32
          %dma_start3A_127 = tpu.memref_slice %arg7[%run_scoped3A_123, %dma_start3A_125, %dma_start3A_126] : memref<2x128x128xf32, #tpu.memory_space<vmem>> -> memref<1x128x128xf32, #tpu.memory_space<vmem>>
          %dma_start3A_128 = tpu.memref_squeeze %dma_start3A_127 : memref<1x128x128xf32, #tpu.memory_space<vmem>> -> memref<128x128xf32, #tpu.memory_space<vmem>>
          %dma_start3A_129 = arith.constant 0 : i32
          %dma_start3A_130 = tpu.memref_slice %arg6[%add3A_122, %dma_start3A_129] : memref<40x128xi32, #tpu.memory_space<vmem>> -> memref<1x128xi32, #tpu.memory_space<vmem>>
          %dma_start3A_131 = tpu.memref_squeeze %dma_start3A_130 : memref<1x128xi32, #tpu.memory_space<vmem>> -> memref<128xi32, #tpu.memory_space<vmem>>
          %dma_start3A_132 = arith.constant 0 : i32
          %dma_start3A_133 = arith.constant 0 : i32
          %dma_start3A_134 = tpu.memref_slice %arg8[%dma_start3A_132, %dma_start3A_133] : memref<10112x128xf32, #tpu.memory_space<vmem_shared>> -> memref<10112x128xf32, #tpu.memory_space<vmem_shared>>
          tpu.enqueue_indirect_dma source(%dma_start3A_128 : memref<128x128xf32, #tpu.memory_space<vmem>>) target(%dma_start3A_134 : memref<10112x128xf32, #tpu.memory_space<vmem_shared>>) offsets(%dma_start3A_131 : memref<128xi32, #tpu.memory_space<vmem>>) semaphore(%run_scoped3A_124 : memref<!tpu.dma_semaphore, #tpu.memory_space<semaphore_mem>>) {add = true}
          %dma_wait3A_135 = arith.constant 0 : i32
          %dma_wait3A_136 = arith.constant 0 : i32
          %dma_wait3A_137 = tpu.memref_slice %arg7[%run_scoped3A_123, %dma_wait3A_135, %dma_wait3A_136] : memref<2x128x128xf32, #tpu.memory_space<vmem>> -> memref<1x128x128xf32, #tpu.memory_space<vmem>>
          %dma_wait3A_138 = tpu.memref_squeeze %dma_wait3A_137 : memref<1x128x128xf32, #tpu.memory_space<vmem>> -> memref<128x128xf32, #tpu.memory_space<vmem>>
          %dma_wait3A_139 = arith.constant 0 : i32
          %dma_wait3A_140 = tpu.memref_slice %arg6[%add3A_122, %dma_wait3A_139] : memref<40x128xi32, #tpu.memory_space<vmem>> -> memref<1x128xi32, #tpu.memory_space<vmem>>
          %dma_wait3A_141 = tpu.memref_squeeze %dma_wait3A_140 : memref<1x128xi32, #tpu.memory_space<vmem>> -> memref<128xi32, #tpu.memory_space<vmem>>
          %dma_wait3A_142 = arith.constant 0 : i32
          %dma_wait3A_143 = arith.constant 0 : i32
          %dma_wait3A_144 = tpu.memref_slice %arg8[%dma_wait3A_142, %dma_wait3A_143] : memref<10112x128xf32, #tpu.memory_space<vmem_shared>> -> memref<10112x128xf32, #tpu.memory_space<vmem_shared>>
          tpu.wait_indirect_dma semaphore(%run_scoped3A_124 : memref<!tpu.dma_semaphore, #tpu.memory_space<semaphore_mem>>) src(%dma_wait3A_138 : memref<128x128xf32, #tpu.memory_space<vmem>>) dst(%dma_wait3A_144 : memref<10112x128xf32, #tpu.memory_space<vmem_shared>>)
          tpu.yield
        }) : () -> ()
      } else {
      }
      %scan3A_105 = arith.constant 0 : i32
      scf.yield %scan3A_105 : i32
    }
    %scan3A_35 = arith.constant 20 : i32
    %mul3A_36 = arith.constant 80 : i32
    %mul3A_37 = arith.muli %add3A, %mul3A_36 : i32
    %add3A_38 = arith.constant 40 : i32
    %add3A_39 = arith.addi %mul3A_37, %add3A_38 : i32
    %run_scoped3A_40 = arith.constant 0 : i32
    "tpu.region"() ({
      %run_scoped3A_66 = tpu.sem_alloc : memref<!tpu.dma_semaphore, #tpu.memory_space<semaphore_mem>>
      %dma_start3A_67 = arith.constant 0 : i32
      %dma_start3A_68 = arith.constant 0 : i32
      %dma_start3A_69 = tpu.memref_slice %arg5[%dma_start3A_67, %dma_start3A_68] : memref<40x128xi32, #tpu.memory_space<vmem>> -> memref<40x128xi32, #tpu.memory_space<vmem>>
      %dma_start3A_70 = arith.constant 0 : i32
      %dma_start3A_71 = tpu.memref_slice %arg3[%run_scoped3A_40, %add3A_39, %dma_start3A_70] : memref<2x2560x128xi32, #tpu.memory_space<hbm>> -> memref<1x40x128xi32, #tpu.memory_space<hbm>>
      %dma_start3A_72 = tpu.memref_squeeze %dma_start3A_71 : memref<1x40x128xi32, #tpu.memory_space<hbm>> -> memref<40x128xi32, #tpu.memory_space<hbm>>
      %dma_start3A_73 = arith.constant 0 : i32
      %dma_start3A_74 = arith.constant 0 : i32
      %dma_start3A_75 = tpu.memref_slice %arg5[%dma_start3A_73, %dma_start3A_74] : memref<40x128xi32, #tpu.memory_space<vmem>> -> memref<40x128xi32, #tpu.memory_space<vmem>>
      %dma_start3A_76 = arith.constant 0 : i32
      %dma_start3A_77 = tpu.memref_slice %arg3[%run_scoped3A_40, %add3A_39, %dma_start3A_76] : memref<2x2560x128xi32, #tpu.memory_space<hbm>> -> memref<1x40x128xi32, #tpu.memory_space<hbm>>
      %dma_start3A_78 = tpu.memref_squeeze %dma_start3A_77 : memref<1x40x128xi32, #tpu.memory_space<hbm>> -> memref<40x128xi32, #tpu.memory_space<hbm>>
      tpu.enqueue_dma source(%dma_start3A_78 : memref<40x128xi32, #tpu.memory_space<hbm>>) target(%dma_start3A_75 : memref<40x128xi32, #tpu.memory_space<vmem>>) target_semaphore(%run_scoped3A_66 : memref<!tpu.dma_semaphore, #tpu.memory_space<semaphore_mem>>)
      %dma_wait3A = arith.constant 0 : i32
      %dma_wait3A_79 = arith.constant 0 : i32
      %dma_wait3A_80 = tpu.memref_slice %arg5[%dma_wait3A, %dma_wait3A_79] : memref<40x128xi32, #tpu.memory_space<vmem>> -> memref<40x128xi32, #tpu.memory_space<vmem>>
      %dma_wait3A_81 = arith.constant 0 : i32
      %dma_wait3A_82 = tpu.memref_slice %arg3[%run_scoped3A_40, %add3A_39, %dma_wait3A_81] : memref<2x2560x128xi32, #tpu.memory_space<hbm>> -> memref<1x40x128xi32, #tpu.memory_space<hbm>>
      %dma_wait3A_83 = tpu.memref_squeeze %dma_wait3A_82 : memref<1x40x128xi32, #tpu.memory_space<hbm>> -> memref<40x128xi32, #tpu.memory_space<hbm>>
      %dma_wait3A_84 = arith.constant 0 : i32
      %dma_wait3A_85 = arith.constant 0 : i32
      %dma_wait3A_86 = tpu.memref_slice %arg5[%dma_wait3A_84, %dma_wait3A_85] : memref<40x128xi32, #tpu.memory_space<vmem>> -> memref<40x128xi32, #tpu.memory_space<vmem>>
      %dma_wait3A_87 = arith.constant 0 : i32
      %dma_wait3A_88 = tpu.memref_slice %arg3[%run_scoped3A_40, %add3A_39, %dma_wait3A_87] : memref<2x2560x128xi32, #tpu.memory_space<hbm>> -> memref<1x40x128xi32, #tpu.memory_space<hbm>>
      %dma_wait3A_89 = tpu.memref_squeeze %dma_wait3A_88 : memref<1x40x128xi32, #tpu.memory_space<hbm>> -> memref<40x128xi32, #tpu.memory_space<hbm>>
      tpu.wait_dma2 semaphore(%run_scoped3A_66 : memref<!tpu.dma_semaphore, #tpu.memory_space<semaphore_mem>>) src(%dma_wait3A_89 : memref<40x128xi32, #tpu.memory_space<hbm>>) dst(%dma_wait3A_86 : memref<40x128xi32, #tpu.memory_space<vmem>>)
      tpu.yield
    }) : () -> ()
    %mul3A_41 = arith.constant 80 : i32
    %mul3A_42 = arith.muli %add3A, %mul3A_41 : i32
    %add3A_43 = arith.constant 40 : i32
    %add3A_44 = arith.addi %mul3A_42, %add3A_43 : i32
    %run_scoped3A_45 = arith.constant 1 : i32
    "tpu.region"() ({
      %run_scoped3A_66 = tpu.sem_alloc : memref<!tpu.dma_semaphore, #tpu.memory_space<semaphore_mem>>
      %dma_start3A_67 = arith.constant 0 : i32
      %dma_start3A_68 = arith.constant 0 : i32
      %dma_start3A_69 = tpu.memref_slice %arg6[%dma_start3A_67, %dma_start3A_68] : memref<40x128xi32, #tpu.memory_space<vmem>> -> memref<40x128xi32, #tpu.memory_space<vmem>>
      %dma_start3A_70 = arith.constant 0 : i32
      %dma_start3A_71 = tpu.memref_slice %arg3[%run_scoped3A_45, %add3A_44, %dma_start3A_70] : memref<2x2560x128xi32, #tpu.memory_space<hbm>> -> memref<1x40x128xi32, #tpu.memory_space<hbm>>
      %dma_start3A_72 = tpu.memref_squeeze %dma_start3A_71 : memref<1x40x128xi32, #tpu.memory_space<hbm>> -> memref<40x128xi32, #tpu.memory_space<hbm>>
      %dma_start3A_73 = arith.constant 0 : i32
      %dma_start3A_74 = arith.constant 0 : i32
      %dma_start3A_75 = tpu.memref_slice %arg6[%dma_start3A_73, %dma_start3A_74] : memref<40x128xi32, #tpu.memory_space<vmem>> -> memref<40x128xi32, #tpu.memory_space<vmem>>
      %dma_start3A_76 = arith.constant 0 : i32
      %dma_start3A_77 = tpu.memref_slice %arg3[%run_scoped3A_45, %add3A_44, %dma_start3A_76] : memref<2x2560x128xi32, #tpu.memory_space<hbm>> -> memref<1x40x128xi32, #tpu.memory_space<hbm>>
      %dma_start3A_78 = tpu.memref_squeeze %dma_start3A_77 : memref<1x40x128xi32, #tpu.memory_space<hbm>> -> memref<40x128xi32, #tpu.memory_space<hbm>>
      tpu.enqueue_dma source(%dma_start3A_78 : memref<40x128xi32, #tpu.memory_space<hbm>>) target(%dma_start3A_75 : memref<40x128xi32, #tpu.memory_space<vmem>>) target_semaphore(%run_scoped3A_66 : memref<!tpu.dma_semaphore, #tpu.memory_space<semaphore_mem>>)
      %dma_wait3A = arith.constant 0 : i32
      %dma_wait3A_79 = arith.constant 0 : i32
      %dma_wait3A_80 = tpu.memref_slice %arg6[%dma_wait3A, %dma_wait3A_79] : memref<40x128xi32, #tpu.memory_space<vmem>> -> memref<40x128xi32, #tpu.memory_space<vmem>>
      %dma_wait3A_81 = arith.constant 0 : i32
      %dma_wait3A_82 = tpu.memref_slice %arg3[%run_scoped3A_45, %add3A_44, %dma_wait3A_81] : memref<2x2560x128xi32, #tpu.memory_space<hbm>> -> memref<1x40x128xi32, #tpu.memory_space<hbm>>
      %dma_wait3A_83 = tpu.memref_squeeze %dma_wait3A_82 : memref<1x40x128xi32, #tpu.memory_space<hbm>> -> memref<40x128xi32, #tpu.memory_space<hbm>>
      %dma_wait3A_84 = arith.constant 0 : i32
      %dma_wait3A_85 = arith.constant 0 : i32
      %dma_wait3A_86 = tpu.memref_slice %arg6[%dma_wait3A_84, %dma_wait3A_85] : memref<40x128xi32, #tpu.memory_space<vmem>> -> memref<40x128xi32, #tpu.memory_space<vmem>>
      %dma_wait3A_87 = arith.constant 0 : i32
      %dma_wait3A_88 = tpu.memref_slice %arg3[%run_scoped3A_45, %add3A_44, %dma_wait3A_87] : memref<2x2560x128xi32, #tpu.memory_space<hbm>> -> memref<1x40x128xi32, #tpu.memory_space<hbm>>
      %dma_wait3A_89 = tpu.memref_squeeze %dma_wait3A_88 : memref<1x40x128xi32, #tpu.memory_space<hbm>> -> memref<40x128xi32, #tpu.memory_space<hbm>>
      tpu.wait_dma2 semaphore(%run_scoped3A_66 : memref<!tpu.dma_semaphore, #tpu.memory_space<semaphore_mem>>) src(%dma_wait3A_89 : memref<40x128xi32, #tpu.memory_space<hbm>>) dst(%dma_wait3A_86 : memref<40x128xi32, #tpu.memory_space<vmem>>)
      tpu.yield
    }) : () -> ()
    %dma_start3A_46 = arith.constant 0 : i32
    %dma_start3A_47 = arith.constant 0 : i32
    %dma_start3A_48 = arith.constant 0 : i32
    %dma_start3A_49 = arith.constant 0 : i32
    %dma_start3A_50 = tpu.memref_slice %arg7[%dma_start3A_47, %dma_start3A_48, %dma_start3A_49] : memref<2x128x128xf32, #tpu.memory_space<vmem>> -> memref<1x128x128xf32, #tpu.memory_space<vmem>>
    %dma_start3A_51 = tpu.memref_squeeze %dma_start3A_50 : memref<1x128x128xf32, #tpu.memory_space<vmem>> -> memref<128x128xf32, #tpu.memory_space<vmem>>
    %dma_start3A_52 = arith.constant 0 : i32
    %dma_start3A_53 = tpu.memref_slice %arg5[%dma_start3A_46, %dma_start3A_52] : memref<40x128xi32, #tpu.memory_space<vmem>> -> memref<1x128xi32, #tpu.memory_space<vmem>>
    %dma_start3A_54 = tpu.memref_squeeze %dma_start3A_53 : memref<1x128xi32, #tpu.memory_space<vmem>> -> memref<128xi32, #tpu.memory_space<vmem>>
    %dma_start3A_55 = arith.constant 0 : i32
    %dma_start3A_56 = arith.constant 0 : i32
    %dma_start3A_57 = tpu.memref_slice %arg2[%dma_start3A_55, %dma_start3A_56] : memref<10112x128xf32, #tpu.memory_space<hbm>> -> memref<10112x128xf32, #tpu.memory_space<hbm>>
    tpu.enqueue_indirect_dma source(%dma_start3A_57 : memref<10112x128xf32, #tpu.memory_space<hbm>>) target(%dma_start3A_51 : memref<128x128xf32, #tpu.memory_space<vmem>>) offsets(%dma_start3A_54 : memref<128xi32, #tpu.memory_space<vmem>>) semaphore(%arg9 : memref<!tpu.dma_semaphore, #tpu.memory_space<semaphore_mem>>)
    %scan3A_58 = arith.constant 0 : i32
    %scan3A_59 = arith.constant 0 : i32
    %scan3A_60 = arith.constant 20 : i32
    %scan3A_61 = arith.addi %scan3A_59, %scan3A_60 : i32
    %scan3A_62 = arith.constant 1 : i32
    %scan3A_63 = scf.for %scan3A_66 = %scan3A_59 to %scan3A_61 step %scan3A_62 iter_args(%scan3A_67 = %scan3A_58) -> (i32)  : i32 {
      %mul3A_68 = arith.constant 2 : i32
      %mul3A_69 = arith.muli %mul3A_68, %scan3A_66 : i32
      %add3A_70 = arith.constant 1 : i32
      %add3A_71 = arith.addi %mul3A_69, %add3A_70 : i32
      %lt3A = arith.constant 40 : i32
      %lt3A_72 = arith.cmpi slt, %add3A_71, %lt3A : i32
      %convert_element_type3A_73 = arith.extui %lt3A_72 : i1 to i32
      %cond3A_74 = arith.constant 0 : i32
      %cond3A_75 = arith.cmpi ne, %convert_element_type3A_73, %cond3A_74 : i32
      scf.if %cond3A_75 {
        %add3A_106 = arith.constant 1 : i32
        %add3A_107 = arith.addi %mul3A_69, %add3A_106 : i32
        %dma_start3A_108 = arith.constant 1 : i32
        %dma_start3A_109 = arith.constant 0 : i32
        %dma_start3A_110 = arith.constant 0 : i32
        %dma_start3A_111 = tpu.memref_slice %arg7[%dma_start3A_108, %dma_start3A_109, %dma_start3A_110] : memref<2x128x128xf32, #tpu.memory_space<vmem>> -> memref<1x128x128xf32, #tpu.memory_space<vmem>>
        %dma_start3A_112 = tpu.memref_squeeze %dma_start3A_111 : memref<1x128x128xf32, #tpu.memory_space<vmem>> -> memref<128x128xf32, #tpu.memory_space<vmem>>
        %dma_start3A_113 = arith.constant 0 : i32
        %dma_start3A_114 = tpu.memref_slice %arg5[%add3A_107, %dma_start3A_113] : memref<40x128xi32, #tpu.memory_space<vmem>> -> memref<1x128xi32, #tpu.memory_space<vmem>>
        %dma_start3A_115 = tpu.memref_squeeze %dma_start3A_114 : memref<1x128xi32, #tpu.memory_space<vmem>> -> memref<128xi32, #tpu.memory_space<vmem>>
        %dma_start3A_116 = arith.constant 0 : i32
        %dma_start3A_117 = arith.constant 0 : i32
        %dma_start3A_118 = tpu.memref_slice %arg2[%dma_start3A_116, %dma_start3A_117] : memref<10112x128xf32, #tpu.memory_space<hbm>> -> memref<10112x128xf32, #tpu.memory_space<hbm>>
        tpu.enqueue_indirect_dma source(%dma_start3A_118 : memref<10112x128xf32, #tpu.memory_space<hbm>>) target(%dma_start3A_112 : memref<128x128xf32, #tpu.memory_space<vmem>>) offsets(%dma_start3A_115 : memref<128xi32, #tpu.memory_space<vmem>>) semaphore(%arg10 : memref<!tpu.dma_semaphore, #tpu.memory_space<semaphore_mem>>)
      } else {
      }
      %dma_wait3A = arith.constant 0 : i32
      %dma_wait3A_76 = arith.constant 0 : i32
      %dma_wait3A_77 = arith.constant 0 : i32
      %dma_wait3A_78 = tpu.memref_slice %arg7[%dma_wait3A, %dma_wait3A_76, %dma_wait3A_77] : memref<2x128x128xf32, #tpu.memory_space<vmem>> -> memref<1x128x128xf32, #tpu.memory_space<vmem>>
      %dma_wait3A_79 = tpu.memref_squeeze %dma_wait3A_78 : memref<1x128x128xf32, #tpu.memory_space<vmem>> -> memref<128x128xf32, #tpu.memory_space<vmem>>
      %dma_wait3A_80 = arith.constant 0 : i32
      %dma_wait3A_81 = arith.constant 0 : i32
      %dma_wait3A_82 = tpu.memref_slice %arg2[%dma_wait3A_80, %dma_wait3A_81] : memref<10112x128xf32, #tpu.memory_space<hbm>> -> memref<128x128xf32, #tpu.memory_space<hbm>>
      %dma_wait3A_83 = arith.constant 0 : i32
      %dma_wait3A_84 = arith.constant 0 : i32
      %dma_wait3A_85 = tpu.memref_slice %arg7[%dma_wait3A, %dma_wait3A_83, %dma_wait3A_84] : memref<2x128x128xf32, #tpu.memory_space<vmem>> -> memref<1x128x128xf32, #tpu.memory_space<vmem>>
      %dma_wait3A_86 = tpu.memref_squeeze %dma_wait3A_85 : memref<1x128x128xf32, #tpu.memory_space<vmem>> -> memref<128x128xf32, #tpu.memory_space<vmem>>
      %dma_wait3A_87 = arith.constant 0 : i32
      %dma_wait3A_88 = arith.constant 0 : i32
      %dma_wait3A_89 = tpu.memref_slice %arg2[%dma_wait3A_87, %dma_wait3A_88] : memref<10112x128xf32, #tpu.memory_space<hbm>> -> memref<128x128xf32, #tpu.memory_space<hbm>>
      tpu.wait_dma2 semaphore(%arg9 : memref<!tpu.dma_semaphore, #tpu.memory_space<semaphore_mem>>) src(%dma_wait3A_89 : memref<128x128xf32, #tpu.memory_space<hbm>>) dst(%dma_wait3A_86 : memref<128x128xf32, #tpu.memory_space<vmem>>)
      %run_scoped3A_90 = arith.constant 0 : i32
      "tpu.region"() ({
        %run_scoped3A_106 = tpu.sem_alloc : memref<!tpu.dma_semaphore, #tpu.memory_space<semaphore_mem>>
        %dma_start3A_107 = arith.constant 0 : i32
        %dma_start3A_108 = arith.constant 0 : i32
        %dma_start3A_109 = tpu.memref_slice %arg7[%run_scoped3A_90, %dma_start3A_107, %dma_start3A_108] : memref<2x128x128xf32, #tpu.memory_space<vmem>> -> memref<1x128x128xf32, #tpu.memory_space<vmem>>
        %dma_start3A_110 = tpu.memref_squeeze %dma_start3A_109 : memref<1x128x128xf32, #tpu.memory_space<vmem>> -> memref<128x128xf32, #tpu.memory_space<vmem>>
        %dma_start3A_111 = arith.constant 0 : i32
        %dma_start3A_112 = tpu.memref_slice %arg6[%mul3A_69, %dma_start3A_111] : memref<40x128xi32, #tpu.memory_space<vmem>> -> memref<1x128xi32, #tpu.memory_space<vmem>>
        %dma_start3A_113 = tpu.memref_squeeze %dma_start3A_112 : memref<1x128xi32, #tpu.memory_space<vmem>> -> memref<128xi32, #tpu.memory_space<vmem>>
        %dma_start3A_114 = arith.constant 0 : i32
        %dma_start3A_115 = arith.constant 0 : i32
        %dma_start3A_116 = tpu.memref_slice %arg8[%dma_start3A_114, %dma_start3A_115] : memref<10112x128xf32, #tpu.memory_space<vmem_shared>> -> memref<10112x128xf32, #tpu.memory_space<vmem_shared>>
        tpu.enqueue_indirect_dma source(%dma_start3A_110 : memref<128x128xf32, #tpu.memory_space<vmem>>) target(%dma_start3A_116 : memref<10112x128xf32, #tpu.memory_space<vmem_shared>>) offsets(%dma_start3A_113 : memref<128xi32, #tpu.memory_space<vmem>>) semaphore(%run_scoped3A_106 : memref<!tpu.dma_semaphore, #tpu.memory_space<semaphore_mem>>) {add = true}
        %dma_wait3A_117 = arith.constant 0 : i32
        %dma_wait3A_118 = arith.constant 0 : i32
        %dma_wait3A_119 = tpu.memref_slice %arg7[%run_scoped3A_90, %dma_wait3A_117, %dma_wait3A_118] : memref<2x128x128xf32, #tpu.memory_space<vmem>> -> memref<1x128x128xf32, #tpu.memory_space<vmem>>
        %dma_wait3A_120 = tpu.memref_squeeze %dma_wait3A_119 : memref<1x128x128xf32, #tpu.memory_space<vmem>> -> memref<128x128xf32, #tpu.memory_space<vmem>>
        %dma_wait3A_121 = arith.constant 0 : i32
        %dma_wait3A_122 = tpu.memref_slice %arg6[%mul3A_69, %dma_wait3A_121] : memref<40x128xi32, #tpu.memory_space<vmem>> -> memref<1x128xi32, #tpu.memory_space<vmem>>
        %dma_wait3A_123 = tpu.memref_squeeze %dma_wait3A_122 : memref<1x128xi32, #tpu.memory_space<vmem>> -> memref<128xi32, #tpu.memory_space<vmem>>
        %dma_wait3A_124 = arith.constant 0 : i32
        %dma_wait3A_125 = arith.constant 0 : i32
        %dma_wait3A_126 = tpu.memref_slice %arg8[%dma_wait3A_124, %dma_wait3A_125] : memref<10112x128xf32, #tpu.memory_space<vmem_shared>> -> memref<10112x128xf32, #tpu.memory_space<vmem_shared>>
        tpu.wait_indirect_dma semaphore(%run_scoped3A_106 : memref<!tpu.dma_semaphore, #tpu.memory_space<semaphore_mem>>) src(%dma_wait3A_120 : memref<128x128xf32, #tpu.memory_space<vmem>>) dst(%dma_wait3A_126 : memref<10112x128xf32, #tpu.memory_space<vmem_shared>>)
        tpu.yield
      }) : () -> ()
      %add3A_91 = arith.constant 2 : i32
      %add3A_92 = arith.addi %mul3A_69, %add3A_91 : i32
      %lt3A_93 = arith.constant 40 : i32
      %lt3A_94 = arith.cmpi slt, %add3A_92, %lt3A_93 : i32
      %convert_element_type3A_95 = arith.extui %lt3A_94 : i1 to i32
      %cond3A_96 = arith.constant 0 : i32
      %cond3A_97 = arith.cmpi ne, %convert_element_type3A_95, %cond3A_96 : i32
      scf.if %cond3A_97 {
        %add3A_106 = arith.constant 2 : i32
        %add3A_107 = arith.addi %mul3A_69, %add3A_106 : i32
        %dma_start3A_108 = arith.constant 0 : i32
        %dma_start3A_109 = arith.constant 0 : i32
        %dma_start3A_110 = arith.constant 0 : i32
        %dma_start3A_111 = tpu.memref_slice %arg7[%dma_start3A_108, %dma_start3A_109, %dma_start3A_110] : memref<2x128x128xf32, #tpu.memory_space<vmem>> -> memref<1x128x128xf32, #tpu.memory_space<vmem>>
        %dma_start3A_112 = tpu.memref_squeeze %dma_start3A_111 : memref<1x128x128xf32, #tpu.memory_space<vmem>> -> memref<128x128xf32, #tpu.memory_space<vmem>>
        %dma_start3A_113 = arith.constant 0 : i32
        %dma_start3A_114 = tpu.memref_slice %arg5[%add3A_107, %dma_start3A_113] : memref<40x128xi32, #tpu.memory_space<vmem>> -> memref<1x128xi32, #tpu.memory_space<vmem>>
        %dma_start3A_115 = tpu.memref_squeeze %dma_start3A_114 : memref<1x128xi32, #tpu.memory_space<vmem>> -> memref<128xi32, #tpu.memory_space<vmem>>
        %dma_start3A_116 = arith.constant 0 : i32
        %dma_start3A_117 = arith.constant 0 : i32
        %dma_start3A_118 = tpu.memref_slice %arg2[%dma_start3A_116, %dma_start3A_117] : memref<10112x128xf32, #tpu.memory_space<hbm>> -> memref<10112x128xf32, #tpu.memory_space<hbm>>
        tpu.enqueue_indirect_dma source(%dma_start3A_118 : memref<10112x128xf32, #tpu.memory_space<hbm>>) target(%dma_start3A_112 : memref<128x128xf32, #tpu.memory_space<vmem>>) offsets(%dma_start3A_115 : memref<128xi32, #tpu.memory_space<vmem>>) semaphore(%arg9 : memref<!tpu.dma_semaphore, #tpu.memory_space<semaphore_mem>>)
      } else {
      }
      %add3A_98 = arith.constant 1 : i32
      %add3A_99 = arith.addi %mul3A_69, %add3A_98 : i32
      %lt3A_100 = arith.constant 40 : i32
      %lt3A_101 = arith.cmpi slt, %add3A_99, %lt3A_100 : i32
      %convert_element_type3A_102 = arith.extui %lt3A_101 : i1 to i32
      %cond3A_103 = arith.constant 0 : i32
      %cond3A_104 = arith.cmpi ne, %convert_element_type3A_102, %cond3A_103 : i32
      scf.if %cond3A_104 {
        %dma_wait3A_106 = arith.constant 1 : i32
        %dma_wait3A_107 = arith.constant 0 : i32
        %dma_wait3A_108 = arith.constant 0 : i32
        %dma_wait3A_109 = tpu.memref_slice %arg7[%dma_wait3A_106, %dma_wait3A_107, %dma_wait3A_108] : memref<2x128x128xf32, #tpu.memory_space<vmem>> -> memref<1x128x128xf32, #tpu.memory_space<vmem>>
        %dma_wait3A_110 = tpu.memref_squeeze %dma_wait3A_109 : memref<1x128x128xf32, #tpu.memory_space<vmem>> -> memref<128x128xf32, #tpu.memory_space<vmem>>
        %dma_wait3A_111 = arith.constant 0 : i32
        %dma_wait3A_112 = arith.constant 0 : i32
        %dma_wait3A_113 = tpu.memref_slice %arg2[%dma_wait3A_111, %dma_wait3A_112] : memref<10112x128xf32, #tpu.memory_space<hbm>> -> memref<128x128xf32, #tpu.memory_space<hbm>>
        %dma_wait3A_114 = arith.constant 0 : i32
        %dma_wait3A_115 = arith.constant 0 : i32
        %dma_wait3A_116 = tpu.memref_slice %arg7[%dma_wait3A_106, %dma_wait3A_114, %dma_wait3A_115] : memref<2x128x128xf32, #tpu.memory_space<vmem>> -> memref<1x128x128xf32, #tpu.memory_space<vmem>>
        %dma_wait3A_117 = tpu.memref_squeeze %dma_wait3A_116 : memref<1x128x128xf32, #tpu.memory_space<vmem>> -> memref<128x128xf32, #tpu.memory_space<vmem>>
        %dma_wait3A_118 = arith.constant 0 : i32
        %dma_wait3A_119 = arith.constant 0 : i32
        %dma_wait3A_120 = tpu.memref_slice %arg2[%dma_wait3A_118, %dma_wait3A_119] : memref<10112x128xf32, #tpu.memory_space<hbm>> -> memref<128x128xf32, #tpu.memory_space<hbm>>
        tpu.wait_dma2 semaphore(%arg10 : memref<!tpu.dma_semaphore, #tpu.memory_space<semaphore_mem>>) src(%dma_wait3A_120 : memref<128x128xf32, #tpu.memory_space<hbm>>) dst(%dma_wait3A_117 : memref<128x128xf32, #tpu.memory_space<vmem>>)
        %add3A_121 = arith.constant 1 : i32
        %add3A_122 = arith.addi %mul3A_69, %add3A_121 : i32
        %run_scoped3A_123 = arith.constant 1 : i32
        "tpu.region"() ({
          %run_scoped3A_124 = tpu.sem_alloc : memref<!tpu.dma_semaphore, #tpu.memory_space<semaphore_mem>>
          %dma_start3A_125 = arith.constant 0 : i32
          %dma_start3A_126 = arith.constant 0 : i32
          %dma_start3A_127 = tpu.memref_slice %arg7[%run_scoped3A_123, %dma_start3A_125, %dma_start3A_126] : memref<2x128x128xf32, #tpu.memory_space<vmem>> -> memref<1x128x128xf32, #tpu.memory_space<vmem>>
          %dma_start3A_128 = tpu.memref_squeeze %dma_start3A_127 : memref<1x128x128xf32, #tpu.memory_space<vmem>> -> memref<128x128xf32, #tpu.memory_space<vmem>>
          %dma_start3A_129 = arith.constant 0 : i32
          %dma_start3A_130 = tpu.memref_slice %arg6[%add3A_122, %dma_start3A_129] : memref<40x128xi32, #tpu.memory_space<vmem>> -> memref<1x128xi32, #tpu.memory_space<vmem>>
          %dma_start3A_131 = tpu.memref_squeeze %dma_start3A_130 : memref<1x128xi32, #tpu.memory_space<vmem>> -> memref<128xi32, #tpu.memory_space<vmem>>
          %dma_start3A_132 = arith.constant 0 : i32
          %dma_start3A_133 = arith.constant 0 : i32
          %dma_start3A_134 = tpu.memref_slice %arg8[%dma_start3A_132, %dma_start3A_133] : memref<10112x128xf32, #tpu.memory_space<vmem_shared>> -> memref<10112x128xf32, #tpu.memory_space<vmem_shared>>
          tpu.enqueue_indirect_dma source(%dma_start3A_128 : memref<128x128xf32, #tpu.memory_space<vmem>>) target(%dma_start3A_134 : memref<10112x128xf32, #tpu.memory_space<vmem_shared>>) offsets(%dma_start3A_131 : memref<128xi32, #tpu.memory_space<vmem>>) semaphore(%run_scoped3A_124 : memref<!tpu.dma_semaphore, #tpu.memory_space<semaphore_mem>>) {add = true}
          %dma_wait3A_135 = arith.constant 0 : i32
          %dma_wait3A_136 = arith.constant 0 : i32
          %dma_wait3A_137 = tpu.memref_slice %arg7[%run_scoped3A_123, %dma_wait3A_135, %dma_wait3A_136] : memref<2x128x128xf32, #tpu.memory_space<vmem>> -> memref<1x128x128xf32, #tpu.memory_space<vmem>>
          %dma_wait3A_138 = tpu.memref_squeeze %dma_wait3A_137 : memref<1x128x128xf32, #tpu.memory_space<vmem>> -> memref<128x128xf32, #tpu.memory_space<vmem>>
          %dma_wait3A_139 = arith.constant 0 : i32
          %dma_wait3A_140 = tpu.memref_slice %arg6[%add3A_122, %dma_wait3A_139] : memref<40x128xi32, #tpu.memory_space<vmem>> -> memref<1x128xi32, #tpu.memory_space<vmem>>
          %dma_wait3A_141 = tpu.memref_squeeze %dma_wait3A_140 : memref<1x128xi32, #tpu.memory_space<vmem>> -> memref<128xi32, #tpu.memory_space<vmem>>
          %dma_wait3A_142 = arith.constant 0 : i32
          %dma_wait3A_143 = arith.constant 0 : i32
          %dma_wait3A_144 = tpu.memref_slice %arg8[%dma_wait3A_142, %dma_wait3A_143] : memref<10112x128xf32, #tpu.memory_space<vmem_shared>> -> memref<10112x128xf32, #tpu.memory_space<vmem_shared>>
          tpu.wait_indirect_dma semaphore(%run_scoped3A_124 : memref<!tpu.dma_semaphore, #tpu.memory_space<semaphore_mem>>) src(%dma_wait3A_138 : memref<128x128xf32, #tpu.memory_space<vmem>>) dst(%dma_wait3A_144 : memref<10112x128xf32, #tpu.memory_space<vmem_shared>>)
          tpu.yield
        }) : () -> ()
      } else {
      }
      %scan3A_105 = arith.constant 0 : i32
      scf.yield %scan3A_105 : i32
    }
    %scan3A_64 = arith.constant 20 : i32
    %barrier3A_65 = arith.constant 0 : index
    tpu.barrier barrier_id(%barrier3A_65)
    "tpu.region"() ({
      %run_scoped3A_66 = tpu.sem_alloc : memref<!tpu.dma_semaphore, #tpu.memory_space<semaphore_mem>>
      %dma_start3A_67 = arith.constant 0 : i32
      %dma_start3A_68 = tpu.memref_slice %arg4[%arg0, %mul3A_0, %dma_start3A_67] : memref<2x10112x128xf32, #tpu.memory_space<hbm>> -> memref<1x632x128xf32, #tpu.memory_space<hbm>>
      %dma_start3A_69 = tpu.memref_squeeze %dma_start3A_68 : memref<1x632x128xf32, #tpu.memory_space<hbm>> -> memref<632x128xf32, #tpu.memory_space<hbm>>
      %dma_start3A_70 = arith.constant 0 : i32
      %dma_start3A_71 = tpu.memref_slice %arg8[%mul3A_0, %dma_start3A_70] : memref<10112x128xf32, #tpu.memory_space<vmem_shared>> -> memref<632x128xf32, #tpu.memory_space<vmem_shared>>
      tpu.enqueue_dma source(%dma_start3A_71 : memref<632x128xf32, #tpu.memory_space<vmem_shared>>) target(%dma_start3A_69 : memref<632x128xf32, #tpu.memory_space<hbm>>) target_semaphore(%run_scoped3A_66 : memref<!tpu.dma_semaphore, #tpu.memory_space<semaphore_mem>>)
      %dma_wait3A = arith.constant 0 : i32
      %dma_wait3A_72 = tpu.memref_slice %arg4[%arg0, %mul3A_0, %dma_wait3A] : memref<2x10112x128xf32, #tpu.memory_space<hbm>> -> memref<1x632x128xf32, #tpu.memory_space<hbm>>
      %dma_wait3A_73 = tpu.memref_squeeze %dma_wait3A_72 : memref<1x632x128xf32, #tpu.memory_space<hbm>> -> memref<632x128xf32, #tpu.memory_space<hbm>>
      %dma_wait3A_74 = arith.constant 0 : i32
      %dma_wait3A_75 = tpu.memref_slice %arg8[%mul3A_0, %dma_wait3A_74] : memref<10112x128xf32, #tpu.memory_space<vmem_shared>> -> memref<632x128xf32, #tpu.memory_space<vmem_shared>>
      tpu.wait_dma2 semaphore(%run_scoped3A_66 : memref<!tpu.dma_semaphore, #tpu.memory_space<semaphore_mem>>) src(%dma_wait3A_75 : memref<632x128xf32, #tpu.memory_space<vmem_shared>>) dst(%dma_wait3A_73 : memref<632x128xf32, #tpu.memory_space<hbm>>)
      tpu.yield
    }) : () -> ()
    return
  }
}

#map = affine_map<(d0, d1) -> (0, 0, 0)>
#map1 = affine_map<(d0, d1) -> (0, 0)>
module attributes {stable_mosaic.version = 14 : i64} {
  func.func @_sc_count(%arg0: i32, %arg1: i32, %arg2: memref<2x2560x128xi32, #tpu.memory_space<hbm>>, %arg3: memref<32x10112xf32, #tpu.memory_space<hbm>>, %arg4: memref<80x128xi32, #tpu.memory_space<vmem>>, %arg5: memref<10112xf32, #tpu.memory_space<vmem>>, %arg6: memref<!tpu.dma_semaphore, #tpu.memory_space<semaphore_mem>>) attributes {dimension_semantics = [#tpu.dimension_semantics<core_parallel>, #tpu.dimension_semantics<subcore_parallel>], iteration_bounds = array<i64: 2, 16>, scalar_prefetch = 0 : i64, scratch_operands = 3 : i64, tpu.core_type = #tpu.core_type<sc_vector_subcore>, window_params = [{transform_indices = #map}, {transform_indices = #map1}]} {
    %mul3A = arith.constant 2 : i32
    %mul3A_0 = arith.muli %arg1, %mul3A : i32
    %add3A = arith.addi %mul3A_0, %arg0 : i32
    %mul3A_1 = arith.constant 80 : i32
    %mul3A_2 = arith.muli %add3A, %mul3A_1 : i32
    %dma_start3A = arith.constant 1 : i32
    %dma_start3A_3 = arith.constant 0 : i32
    %dma_start3A_4 = tpu.memref_slice %arg2[%dma_start3A, %mul3A_2, %dma_start3A_3] : memref<2x2560x128xi32, #tpu.memory_space<hbm>> -> memref<1x80x128xi32, #tpu.memory_space<hbm>>
    %dma_start3A_5 = tpu.memref_squeeze %dma_start3A_4 : memref<1x80x128xi32, #tpu.memory_space<hbm>> -> memref<80x128xi32, #tpu.memory_space<hbm>>
    %dma_start3A_6 = arith.constant 0 : i32
    %dma_start3A_7 = tpu.memref_slice %arg2[%dma_start3A, %mul3A_2, %dma_start3A_6] : memref<2x2560x128xi32, #tpu.memory_space<hbm>> -> memref<1x80x128xi32, #tpu.memory_space<hbm>>
    %dma_start3A_8 = tpu.memref_squeeze %dma_start3A_7 : memref<1x80x128xi32, #tpu.memory_space<hbm>> -> memref<80x128xi32, #tpu.memory_space<hbm>>
    tpu.enqueue_dma source(%dma_start3A_8 : memref<80x128xi32, #tpu.memory_space<hbm>>) target(%arg4 : memref<80x128xi32, #tpu.memory_space<vmem>>) target_semaphore(%arg6 : memref<!tpu.dma_semaphore, #tpu.memory_space<semaphore_mem>>)
    %scan3A = arith.constant 0 : i32
    %scan3A_9 = arith.constant 0 : i32
    %scan3A_10 = arith.constant 632 : i32
    %scan3A_11 = arith.addi %scan3A_9, %scan3A_10 : i32
    %scan3A_12 = arith.constant 1 : i32
    %scan3A_13 = scf.for %scan3A_31 = %scan3A_9 to %scan3A_11 step %scan3A_12 iter_args(%scan3A_32 = %scan3A) -> (i32)  : i32 {
      %broadcast_in_dim3A_33 = arith.constant 0.000000e+00 : f32
      %broadcast_in_dim3A_34 = vector.broadcast %broadcast_in_dim3A_33 : f32 to vector<16xf32>
      %mul3A_35 = arith.constant 16 : i32
      %mul3A_36 = arith.muli %scan3A_31, %mul3A_35 : i32
      %swap3A = arith.index_cast %mul3A_36 : i32 to index
      %swap3A_37 = tpu.vector_load %arg5[%swap3A] {strides = array<i32>} : memref<10112xf32, #tpu.memory_space<vmem>>, vector<16xf32>,
      tpu.vector_store %arg5[%swap3A], %broadcast_in_dim3A_34 {strides = array<i32>} : memref<10112xf32, #tpu.memory_space<vmem>>, vector<16xf32>,
      %scan3A_38 = arith.constant 0 : i32
      scf.yield %scan3A_38 : i32
    }
    %scan3A_14 = arith.constant 632 : i32
    %mul3A_15 = arith.constant 80 : i32
    %mul3A_16 = arith.muli %add3A, %mul3A_15 : i32
    %dma_wait3A = arith.constant 1 : i32
    %dma_wait3A_17 = arith.constant 0 : i32
    %dma_wait3A_18 = tpu.memref_slice %arg2[%dma_wait3A, %mul3A_16, %dma_wait3A_17] : memref<2x2560x128xi32, #tpu.memory_space<hbm>> -> memref<1x80x128xi32, #tpu.memory_space<hbm>>
    %dma_wait3A_19 = tpu.memref_squeeze %dma_wait3A_18 : memref<1x80x128xi32, #tpu.memory_space<hbm>> -> memref<80x128xi32, #tpu.memory_space<hbm>>
    %dma_wait3A_20 = arith.constant 0 : i32
    %dma_wait3A_21 = tpu.memref_slice %arg2[%dma_wait3A, %mul3A_16, %dma_wait3A_20] : memref<2x2560x128xi32, #tpu.memory_space<hbm>> -> memref<1x80x128xi32, #tpu.memory_space<hbm>>
    %dma_wait3A_22 = tpu.memref_squeeze %dma_wait3A_21 : memref<1x80x128xi32, #tpu.memory_space<hbm>> -> memref<80x128xi32, #tpu.memory_space<hbm>>
    tpu.wait_dma2 semaphore(%arg6 : memref<!tpu.dma_semaphore, #tpu.memory_space<semaphore_mem>>) src(%dma_wait3A_22 : memref<80x128xi32, #tpu.memory_space<hbm>>) dst(%arg4 : memref<80x128xi32, #tpu.memory_space<vmem>>)
    %broadcast_in_dim3A = arith.constant 1.000000e+00 : f32
    %broadcast_in_dim3A_23 = vector.broadcast %broadcast_in_dim3A : f32 to vector<16xf32>
    %scan3A_24 = arith.constant 0 : i32
    %scan3A_25 = arith.constant 0 : i32
    %scan3A_26 = arith.constant 80 : i32
    %scan3A_27 = arith.addi %scan3A_25, %scan3A_26 : i32
    %scan3A_28 = arith.constant 1 : i32
    %scan3A_29 = scf.for %scan3A_31 = %scan3A_25 to %scan3A_27 step %scan3A_28 iter_args(%scan3A_32 = %scan3A_24) -> (i32)  : i32 {
      %get3A = arith.index_cast %scan3A_31 : i32 to index
      %get3A_33 = arith.constant 0 : index
      %get3A_34 = tpu.vector_load %arg4[%get3A, %get3A_33] {strides = array<i32>} : memref<80x128xi32, #tpu.memory_space<vmem>>, vector<16xi32>,
      tpu.vector_store_idx %arg5[%get3A_34], %broadcast_in_dim3A_23 {add = true} : memref<10112xf32, #tpu.memory_space<vmem>>[vector<16xi32>], vector<16xf32>,
      %get3A_35 = arith.index_cast %scan3A_31 : i32 to index
      %get3A_36 = arith.constant 16 : index
      %get3A_37 = tpu.vector_load %arg4[%get3A_35, %get3A_36] {strides = array<i32>} : memref<80x128xi32, #tpu.memory_space<vmem>>, vector<16xi32>,
      tpu.vector_store_idx %arg5[%get3A_37], %broadcast_in_dim3A_23 {add = true} : memref<10112xf32, #tpu.memory_space<vmem>>[vector<16xi32>], vector<16xf32>,
      %get3A_38 = arith.index_cast %scan3A_31 : i32 to index
      %get3A_39 = arith.constant 32 : index
      %get3A_40 = tpu.vector_load %arg4[%get3A_38, %get3A_39] {strides = array<i32>} : memref<80x128xi32, #tpu.memory_space<vmem>>, vector<16xi32>,
      tpu.vector_store_idx %arg5[%get3A_40], %broadcast_in_dim3A_23 {add = true} : memref<10112xf32, #tpu.memory_space<vmem>>[vector<16xi32>], vector<16xf32>,
      %get3A_41 = arith.index_cast %scan3A_31 : i32 to index
      %get3A_42 = arith.constant 48 : index
      %get3A_43 = tpu.vector_load %arg4[%get3A_41, %get3A_42] {strides = array<i32>} : memref<80x128xi32, #tpu.memory_space<vmem>>, vector<16xi32>,
      tpu.vector_store_idx %arg5[%get3A_43], %broadcast_in_dim3A_23 {add = true} : memref<10112xf32, #tpu.memory_space<vmem>>[vector<16xi32>], vector<16xf32>,
      %get3A_44 = arith.index_cast %scan3A_31 : i32 to index
      %get3A_45 = arith.constant 64 : index
      %get3A_46 = tpu.vector_load %arg4[%get3A_44, %get3A_45] {strides = array<i32>} : memref<80x128xi32, #tpu.memory_space<vmem>>, vector<16xi32>,
      tpu.vector_store_idx %arg5[%get3A_46], %broadcast_in_dim3A_23 {add = true} : memref<10112xf32, #tpu.memory_space<vmem>>[vector<16xi32>], vector<16xf32>,
      %get3A_47 = arith.index_cast %scan3A_31 : i32 to index
      %get3A_48 = arith.constant 80 : index
      %get3A_49 = tpu.vector_load %arg4[%get3A_47, %get3A_48] {strides = array<i32>} : memref<80x128xi32, #tpu.memory_space<vmem>>, vector<16xi32>,
      tpu.vector_store_idx %arg5[%get3A_49], %broadcast_in_dim3A_23 {add = true} : memref<10112xf32, #tpu.memory_space<vmem>>[vector<16xi32>], vector<16xf32>,
      %get3A_50 = arith.index_cast %scan3A_31 : i32 to index
      %get3A_51 = arith.constant 96 : index
      %get3A_52 = tpu.vector_load %arg4[%get3A_50, %get3A_51] {strides = array<i32>} : memref<80x128xi32, #tpu.memory_space<vmem>>, vector<16xi32>,
      tpu.vector_store_idx %arg5[%get3A_52], %broadcast_in_dim3A_23 {add = true} : memref<10112xf32, #tpu.memory_space<vmem>>[vector<16xi32>], vector<16xf32>,
      %get3A_53 = arith.index_cast %scan3A_31 : i32 to index
      %get3A_54 = arith.constant 112 : index
      %get3A_55 = tpu.vector_load %arg4[%get3A_53, %get3A_54] {strides = array<i32>} : memref<80x128xi32, #tpu.memory_space<vmem>>, vector<16xi32>,
      tpu.vector_store_idx %arg5[%get3A_55], %broadcast_in_dim3A_23 {add = true} : memref<10112xf32, #tpu.memory_space<vmem>>[vector<16xi32>], vector<16xf32>,
      %scan3A_56 = arith.constant 0 : i32
      scf.yield %scan3A_56 : i32
    }
    %scan3A_30 = arith.constant 80 : i32
    "tpu.region"() ({
      %run_scoped3A = tpu.sem_alloc : memref<!tpu.dma_semaphore, #tpu.memory_space<semaphore_mem>>
      %dma_start3A_31 = arith.constant 0 : i32
      %dma_start3A_32 = tpu.memref_slice %arg3[%add3A, %dma_start3A_31] : memref<32x10112xf32, #tpu.memory_space<hbm>> -> memref<1x10112xf32, #tpu.memory_space<hbm>>
      %dma_start3A_33 = tpu.memref_squeeze %dma_start3A_32 : memref<1x10112xf32, #tpu.memory_space<hbm>> -> memref<10112xf32, #tpu.memory_space<hbm>>
      %dma_start3A_34 = arith.constant 0 : i32
      %dma_start3A_35 = tpu.memref_slice %arg3[%add3A, %dma_start3A_34] : memref<32x10112xf32, #tpu.memory_space<hbm>> -> memref<1x10112xf32, #tpu.memory_space<hbm>>
      %dma_start3A_36 = tpu.memref_squeeze %dma_start3A_35 : memref<1x10112xf32, #tpu.memory_space<hbm>> -> memref<10112xf32, #tpu.memory_space<hbm>>
      tpu.enqueue_dma source(%arg5 : memref<10112xf32, #tpu.memory_space<vmem>>) target(%dma_start3A_36 : memref<10112xf32, #tpu.memory_space<hbm>>) target_semaphore(%run_scoped3A : memref<!tpu.dma_semaphore, #tpu.memory_space<semaphore_mem>>)
      %dma_wait3A_37 = arith.constant 0 : i32
      %dma_wait3A_38 = tpu.memref_slice %arg3[%add3A, %dma_wait3A_37] : memref<32x10112xf32, #tpu.memory_space<hbm>> -> memref<1x10112xf32, #tpu.memory_space<hbm>>
      %dma_wait3A_39 = tpu.memref_squeeze %dma_wait3A_38 : memref<1x10112xf32, #tpu.memory_space<hbm>> -> memref<10112xf32, #tpu.memory_space<hbm>>
      %dma_wait3A_40 = arith.constant 0 : i32
      %dma_wait3A_41 = tpu.memref_slice %arg3[%add3A, %dma_wait3A_40] : memref<32x10112xf32, #tpu.memory_space<hbm>> -> memref<1x10112xf32, #tpu.memory_space<hbm>>
      %dma_wait3A_42 = tpu.memref_squeeze %dma_wait3A_41 : memref<1x10112xf32, #tpu.memory_space<hbm>> -> memref<10112xf32, #tpu.memory_space<hbm>>
      tpu.wait_dma2 semaphore(%run_scoped3A : memref<!tpu.dma_semaphore, #tpu.memory_space<semaphore_mem>>) src(%arg5 : memref<10112xf32, #tpu.memory_space<vmem>>) dst(%dma_wait3A_42 : memref<10112xf32, #tpu.memory_space<hbm>>)
      tpu.yield
    }) : () -> ()
    return
  }
}

module attributes {stable_mosaic.version = 14 : i64} {
  func.func @_dinv_body(%arg0: memref<32x10112xf32, #tpu.memory_space<vmem>>, %arg1: memref<10112x1xf32, #tpu.memory_space<vmem>>) attributes {dimension_semantics = [], scalar_prefetch = 0 : i64, scratch_operands = 0 : i64, tpu.core_type = #tpu.core_type<tc>} {
    %get3A = arith.constant 0 : index
    %get3A_0 = arith.constant 0 : index
    %get3A_1 = vector.load %arg0[%get3A, %get3A_0] : memref<32x10112xf32, #tpu.memory_space<vmem>>, vector<32x10112xf32>
    %reduce_sum3A = arith.constant dense<0.000000e+00> : vector<10112xf32>
    %reduce_sum3A_2 = vector.multi_reduction <add>, %get3A_1, %reduce_sum3A [0] : vector<32x10112xf32> to vector<10112xf32>
    %add3A = arith.constant 1.000000e+00 : f32
    %add3A_3 = vector.broadcast %add3A : f32 to vector<10112xf32>
    %add3A_4 = arith.addf %reduce_sum3A_2, %add3A_3 : vector<10112xf32>
    %rsqrt3A = math.rsqrt %add3A_4 : vector<10112xf32>
    %reshape3A = vector.shape_cast %rsqrt3A : vector<10112xf32> to vector<10112x1xf32>
    %swap3A = arith.constant 0 : index
    %swap3A_5 = arith.constant 0 : index
    %swap3A_6 = vector.load %arg1[%swap3A, %swap3A_5] : memref<10112x1xf32, #tpu.memory_space<vmem>>, vector<10112x1xf32>
    tpu.vector_store %arg1[%swap3A, %swap3A_5], %reshape3A {strides = array<i32>} : memref<10112x1xf32, #tpu.memory_space<vmem>>, vector<10112x1xf32>,
    return
  }
}

module attributes {stable_mosaic.version = 14 : i64} {
  func.func @_mm_body(%arg0: i32, %arg1: memref<1264x128xf32, #tpu.memory_space<vmem>>, %arg2: memref<128x128xf32, #tpu.memory_space<vmem>>, %arg3: memref<1264x1xf32, #tpu.memory_space<vmem>>, %arg4: memref<1264x128xf32, #tpu.memory_space<vmem>>) attributes {dimension_semantics = [#tpu.dimension_semantics<arbitrary>], iteration_bounds = array<i64: 8>, scalar_prefetch = 0 : i64, scratch_operands = 0 : i64, tpu.core_type = #tpu.core_type<tc>, window_params = [{transform_indices = @transform_0, window_bounds = array<i64: 1264, 128>}, {pipeline_mode = #tpu.pipeline_mode<synchronous>, transform_indices = @transform_1, window_bounds = array<i64: 128, 128>}, {transform_indices = @transform_2, window_bounds = array<i64: 1264, 1>}, {transform_indices = @transform_3, window_bounds = array<i64: 1264, 128>}]} {
    %get3A = arith.constant 0 : index
    %get3A_0 = arith.constant 0 : index
    %get3A_1 = vector.load %arg1[%get3A, %get3A_0] : memref<1264x128xf32, #tpu.memory_space<vmem>>, vector<1264x128xf32>
    %get3A_2 = arith.constant 0 : index
    %get3A_3 = arith.constant 0 : index
    %get3A_4 = vector.load %arg2[%get3A_2, %get3A_3] : memref<128x128xf32, #tpu.memory_space<vmem>>, vector<128x128xf32>
    %dot_general3A = arith.constant dense<0.000000e+00> : vector<1264x128xf32>
    %dot_general3A_5 = tpu.matmul %get3A_1, %get3A_4, %dot_general3A {dimension_numbers = #tpu.dot_dimension_numbers<[1], [0], [0], [1], [0, 0, 1, 1], [], []>, transpose_lhs_hint = false} : vector<1264x128xf32>, vector<128x128xf32>, vector<1264x128xf32> -> vector<1264x128xf32>
    %get3A_6 = arith.constant 0 : index
    %get3A_7 = arith.constant 0 : index
    %get3A_8 = vector.load %arg3[%get3A_6, %get3A_7] : memref<1264x1xf32, #tpu.memory_space<vmem>>, vector<1264x1xf32>
    %mul3A = vector.broadcast %get3A_8 : vector<1264x1xf32> to vector<1264x128xf32>
    %mul3A_9 = arith.mulf %dot_general3A_5, %mul3A : vector<1264x128xf32>
    %swap3A = arith.constant 0 : index
    %swap3A_10 = arith.constant 0 : index
    %swap3A_11 = vector.load %arg4[%swap3A, %swap3A_10] : memref<1264x128xf32, #tpu.memory_space<vmem>>, vector<1264x128xf32>
    tpu.vector_store %arg4[%swap3A, %swap3A_10], %mul3A_9 {strides = array<i32>} : memref<1264x128xf32, #tpu.memory_space<vmem>>, vector<1264x128xf32>,
    return
  }
  func.func @transform_0(%arg0: i32) -> (i32, i32) {
    %c0_i32 = arith.constant 0 : i32
    %c0_i32_0 = arith.constant 0 : i32
    return %arg0, %c0_i32 : i32, i32
  }
  func.func @transform_1(%arg0: i32) -> (i32, i32) {
    %c0_i32 = arith.constant 0 : i32
    %c0_i32_0 = arith.constant 0 : i32
    %c0_i32_1 = arith.constant 0 : i32
    return %c0_i32, %c0_i32_0 : i32, i32
  }
  func.func @transform_2(%arg0: i32) -> (i32, i32) {
    %c0_i32 = arith.constant 0 : i32
    %c0_i32_0 = arith.constant 0 : i32
    return %arg0, %c0_i32 : i32, i32
  }
  func.func @transform_3(%arg0: i32) -> (i32, i32) {
    %c0_i32 = arith.constant 0 : i32
    %c0_i32_0 = arith.constant 0 : i32
    return %arg0, %c0_i32 : i32, i32
  }
}

module attributes {stable_mosaic.version = 14 : i64} {
  func.func @_final_body(%arg0: i32, %arg1: memref<1000x128xf32, #tpu.memory_space<vmem>>, %arg2: memref<2x1000x128xf32, #tpu.memory_space<vmem>>, %arg3: memref<1000x1xf32, #tpu.memory_space<vmem>>, %arg4: memref<128xf32, #tpu.memory_space<vmem>>, %arg5: memref<1000x128xf32, #tpu.memory_space<vmem>>) attributes {dimension_semantics = [#tpu.dimension_semantics<arbitrary>], iteration_bounds = array<i64: 10>, scalar_prefetch = 0 : i64, scratch_operands = 0 : i64, tpu.core_type = #tpu.core_type<tc>, window_params = [{transform_indices = @transform_0, window_bounds = array<i64: 1000, 128>}, {transform_indices = @transform_1, window_bounds = array<i64: 2, 1000, 128>}, {transform_indices = @transform_2, window_bounds = array<i64: 1000, 1>}, {pipeline_mode = #tpu.pipeline_mode<synchronous>, transform_indices = @transform_3, window_bounds = array<i64: 128>}, {transform_indices = @transform_4, window_bounds = array<i64: 1000, 128>}]} {
    %get3A = arith.constant 0 : index
    %get3A_0 = arith.constant 0 : index
    %get3A_1 = vector.load %arg1[%get3A, %get3A_0] : memref<1000x128xf32, #tpu.memory_space<vmem>>, vector<1000x128xf32>
    %get3A_2 = arith.constant 0 : index
    %get3A_3 = arith.constant 0 : index
    %get3A_4 = vector.load %arg3[%get3A_2, %get3A_3] : memref<1000x1xf32, #tpu.memory_space<vmem>>, vector<1000x1xf32>
    %get3A_5 = arith.constant 0 : index
    %get3A_6 = arith.constant 0 : index
    %get3A_7 = arith.constant 0 : index
    %get3A_8 = vector.load %arg2[%get3A_5, %get3A_6, %get3A_7] : memref<2x1000x128xf32, #tpu.memory_space<vmem>>, vector<1x1000x128xf32>
    %get3A_9 = vector.shape_cast %get3A_8 : vector<1x1000x128xf32> to vector<1000x128xf32>
    %get3A_10 = arith.constant 1 : index
    %get3A_11 = arith.constant 0 : index
    %get3A_12 = arith.constant 0 : index
    %get3A_13 = vector.load %arg2[%get3A_10, %get3A_11, %get3A_12] : memref<2x1000x128xf32, #tpu.memory_space<vmem>>, vector<1x1000x128xf32>
    %get3A_14 = vector.shape_cast %get3A_13 : vector<1x1000x128xf32> to vector<1000x128xf32>
    %add3A = arith.addf %get3A_9, %get3A_14 : vector<1000x128xf32>
    %mul3A = vector.broadcast %get3A_4 : vector<1000x1xf32> to vector<1000x128xf32>
    %mul3A_15 = arith.mulf %mul3A, %add3A : vector<1000x128xf32>
    %add3A_16 = arith.addf %get3A_1, %mul3A_15 : vector<1000x128xf32>
    %get3A_17 = arith.constant 0 : index
    %get3A_18 = vector.load %arg4[%get3A_17] : memref<128xf32, #tpu.memory_space<vmem>>, vector<128xf32>
    %reshape3A = vector.shape_cast %get3A_18 : vector<128xf32> to vector<1x128xf32>
    %add3A_19 = vector.broadcast %reshape3A : vector<1x128xf32> to vector<1000x128xf32>
    %add3A_20 = arith.addf %add3A_16, %add3A_19 : vector<1000x128xf32>
    %swap3A = arith.constant 0 : index
    %swap3A_21 = arith.constant 0 : index
    %swap3A_22 = vector.load %arg5[%swap3A, %swap3A_21] : memref<1000x128xf32, #tpu.memory_space<vmem>>, vector<1000x128xf32>
    tpu.vector_store %arg5[%swap3A, %swap3A_21], %add3A_20 {strides = array<i32>} : memref<1000x128xf32, #tpu.memory_space<vmem>>, vector<1000x128xf32>,
    return
  }
  func.func @transform_0(%arg0: i32) -> (i32, i32) {
    %c0_i32 = arith.constant 0 : i32
    %c0_i32_0 = arith.constant 0 : i32
    return %arg0, %c0_i32 : i32, i32
  }
  func.func @transform_1(%arg0: i32) -> (i32, i32, i32) {
    %c0_i32 = arith.constant 0 : i32
    %c0_i32_0 = arith.constant 0 : i32
    %c0_i32_1 = arith.constant 0 : i32
    return %c0_i32, %arg0, %c0_i32_0 : i32, i32, i32
  }
  func.func @transform_2(%arg0: i32) -> (i32, i32) {
    %c0_i32 = arith.constant 0 : i32
    %c0_i32_0 = arith.constant 0 : i32
    return %arg0, %c0_i32 : i32, i32
  }
  func.func @transform_3(%arg0: i32) -> i32 {
    %c0_i32 = arith.constant 0 : i32
    %c0_i32_0 = arith.constant 0 : i32
    return %c0_i32 : i32
  }
  func.func @transform_4(%arg0: i32) -> (i32, i32) {
    %c0_i32 = arith.constant 0 : i32
    %c0_i32_0 = arith.constant 0 : i32
    return %arg0, %c0_i32 : i32, i32
  }
}

</mosaic_0001>

<sc_bundles>
// kernel: kernel.10.cloned.1.call-start
scs
__scs_entry_jumppad:
0x0: {  	(pc) =	sbr.rel $0x88, $3  }
0x1: {  	(tag) =	ssettag $0x0;
	lr =	simm.s32 $0x1  }
0x2: {  	[smem:$0x3F9D] =	sst lr;
	_ =	strace $0xD0000000  }
0x3: {  	_ = 	snop  }
0x4: {  	_ = 	snop  }
0x5: {  	_ = 	snop  }
0x6: {  	_ = 	snop  }
0x7: {  	_ = 	snop  }
__scs_overlays_trampoline_lowered:
0x8: {  	[smem:$0x3FAC] =	sst s0  }
0x9: {  	[smem:$0x3FAD] =	sst s1  }
0xa: {  	[smem:$0x3FAE] =	sst s2  }
0xb: {  	[smem:$0x3FAF] =	sst s3  }
0xc: {  	[smem:$0x3FB0] =	sst s4  }
0xd: {  	[smem:$0x3FB1] =	sst s5  }
0xe: {  	[smem:$0x3FB2] =	sst s6  }
0xf: {  	[smem:$0x3FB3] =	sst s7  }
0x10: {  	[smem:$0x3FB4] =	sst s8  }
0x11: {  	[smem:$0x3FB5] =	sst s9;
	s0 =	simm.s32 @!p0 $0x0  }
0x12: {  	s1 =	sld [smem:$0x3F9B];
	s0 =	simm.s32 @p0 $0x1  }
0x13: {  	[smem:$0x3FB6] =	sst s0;
	s0 =	simm.s32 @!p1 $0x0  }
0x14: {  	s2 =	sld [smem:$0x3F9A];
	s0 =	simm.s32 @p1 $0x1  }
0x15: {  	[smem:$0x3FB7] =	sst s0;
	s0 =	simm.s32 @!p2 $0x0  }
0x16: {  	s3 =	sld [smem:$0x3FDB];
	s0 =	simm.s32 @p2 $0x1  }
0x17: {  	s4 =	simm.s32 $0x1BF5;
	[smem:$0x3FB9] =	sst s0  }
0x18: {  	s0 =	sld [smem:$0x3F9C];
	_ =	swait.ge [sflag:s4], $0x0  }
0x19: {  	s7 =	sld [smem:$0x3F9D]  }
0x1a: {  	s8 =	sadd.s32 $0xFFFFE003, lr  }
0x1b: {  	s9 =	sadd.s32 $0xFFFFFEF7, lr;
	s5 =	simm.s32 $0xFFFFFFFF;
	p2 =	slt.u32 s8, $0xFFFFF086  }
0x1c: {  	p1 =	slt.u32 s9, $0xF7A;
	s5 =	simm.s32 @!p2 $0x0  }
0x1d: {  	s5 =	simm.s32 @p1 $0x1;
	p0 =	seq.s32 s7, s2  }
0x1e: {  	s7 =	smul.u32 @!p0 $0xF7A, s2;
	p2 =	seq.s32 @!p0 s5, $0x0  }
0x1f: {  	s9 =	smul.u32 $0xF7A, s1;
	s8 =	simm.s32 @!p0 $0x1BF5;
	p2 =	por !p2, p0  }
0x20: {  	[sflag:s8] =	ssyncset.s32 @!p0 $0xFFFFF086;
	s6 =	sadd.s32 @!p0 s3, s7;
	s7 =	simm.s32 @!p0 $0x108  }
0x21: {  	s3 =	sadd.s32 s3, s9;
	s6 =	sadd.s32 @!p0 $0x88, s6;
	s7 =	simm.s32 @p2 $0x1082  }
0x22: {  	[simem:s7], [sflag:s8] =	dma.local @!p0 [hbm:s6], $0xF7A  }
0x23: {  	s9 =	sor.u32 $0xD0000000, s2;
	s6 =	simm.s32 $0x108;
	_ =	swait.ge @!p0 [sflag:s8], $0x0  }
0x24: {  	s3 =	sadd.s32 $0x88, s3;
	s6 =	simm.s32 @!p1 $0x1082;
	[sflag:s4] =	ssyncset.s32 $0xFFFFF086  }
0x25: {  	[simem:s6], [sflag:s4] =	dma.local [hbm:s3], $0xF7A  }
0x26: {  	[smem:$0x3F9D] =	sst s1;
	(tag) =	ssettag s2;
	_ =	strace s9  }
0x27: {  	s1 =	sld [smem:$0x3FAD]  }
0x28: {  	s2 =	sld [smem:$0x3FAE]  }
0x29: {  	s4 =	sld [smem:$0x3FB0]  }
0x2a: {  	p0 =	seq.s32 s5, $0x0;
	s5 =	sld [smem:$0x3FB1]  }
0x2b: {  	s6 =	sld [smem:$0x3FB2]  }
0x2c: {  	s7 =	sld [smem:$0x3FB3]  }
0x2d: {  	s3 =	simm.s32 $0x108;
	s8 =	sld [smem:$0x3FB4]  }
0x2e: {  	s3 =	simm.s32 @!p0 $0x1082;
	s9 =	sld [smem:$0x3FB5]  }
0x2f: {  	lr =	sadd.s32 s0, s3;
	s0 =	sld [smem:$0x3FAC]  }
0x30: {  	s3 =	sld [smem:$0x3FAF]  }
0x31: {  	[smem:$0x3FB8] =	sst s10  }
0x32: {  	s10 =	sld [smem:$0x3FB6];
	_ =	sdelay $0x3  }
0x33: {  	p0 =	seq.s32 s10, $0x1;
	s10 =	sld [smem:$0x3FB8];
	_ =	sdelay $0x3  }
0x34: {  	[smem:$0x3FB8] =	sst s10  }
0x35: {  	s10 =	sld [smem:$0x3FB7];
	_ =	sdelay $0x3  }
0x36: {  	p1 =	seq.s32 s10, $0x1;
	s10 =	sld [smem:$0x3FB8];
	_ =	sdelay $0x3  }
0x37: {  	[smem:$0x3FB8] =	sst s10  }
0x38: {  	s10 =	sld [smem:$0x3FB9]  }
0x39: {  	_ = 	snop;
	(pc) =	sbr.ind lr, $3  }
0x3a: {  	_ = 	snop  }
0x3b: {  	_ = 	snop  }
0x3c: {  	p2 =	seq.s32 s10, $0x1;
	s10 =	sld [smem:$0x3FB8]  }
0x3d: {  	_ =	shalt  }
0x3e: {  	_ =	shalt  }
0x3f: {  	_ =	shalt  }
0x40: {  	_ =	shalt  }
0x41: {  	_ =	shalt  }
0x42: {  	_ =	shalt  }
0x43: {  	_ =	shalt  }
0x44: {  	_ =	shalt  }
0x45: {  	_ =	shalt  }
0x46: {  	_ =	shalt  }
0x47: {  	_ =	shalt  }
0x48: {  	_ =	shalt  }
0x49: {  	_ =	shalt  }
0x4a: {  	_ =	shalt  }
0x4b: {  	_ =	shalt  }
0x4c: {  	_ =	shalt  }
0x4d: {  	_ =	shalt  }
0x4e: {  	_ =	shalt  }
0x4f: {  	_ =	shalt  }
0x50: {  	_ =	shalt  }
0x51: {  	_ =	shalt  }
0x52: {  	_ =	shalt  }
0x53: {  	_ =	shalt  }
0x54: {  	_ =	shalt  }
0x55: {  	_ =	shalt  }
0x56: {  	_ =	shalt  }
0x57: {  	_ =	shalt  }
0x58: {  	_ =	shalt  }
0x59: {  	_ =	shalt  }
0x5a: {  	_ =	shalt  }
0x5b: {  	_ =	shalt  }
0x5c: {  	_ =	shalt  }
0x5d: {  	_ =	shalt  }
0x5e: {  	_ =	shalt  }
0x5f: {  	_ =	shalt  }
0x60: {  	_ =	shalt  }
0x61: {  	_ =	shalt  }
0x62: {  	_ =	shalt  }
0x63: {  	_ =	shalt  }
0x64: {  	_ =	shalt  }
0x65: {  	_ =	shalt  }
0x66: {  	_ =	shalt  }
0x67: {  	_ =	shalt  }
0x68: {  	_ =	shalt  }
0x69: {  	_ =	shalt  }
0x6a: {  	_ =	shalt  }
0x6b: {  	_ =	shalt  }
0x6c: {  	_ =	shalt  }
0x6d: {  	_ =	shalt  }
0x6e: {  	_ =	shalt  }
0x6f: {  	_ =	shalt  }
0x70: {  	_ =	shalt  }
0x71: {  	_ =	shalt  }
0x72: {  	_ =	shalt  }
0x73: {  	_ =	shalt  }
0x74: {  	_ =	shalt  }
0x75: {  	_ =	shalt  }
0x76: {  	_ =	shalt  }
0x77: {  	_ =	shalt  }
0x78: {  	_ =	shalt  }
0x79: {  	_ =	shalt  }
0x7a: {  	_ =	shalt  }
0x7b: {  	_ =	shalt  }
0x7c: {  	_ =	shalt  }
0x7d: {  	_ =	shalt  }
0x7e: {  	_ =	shalt  }
0x7f: {  	_ =	shalt  }
0x80: {  	_ =	shalt  }
0x81: {  	_ =	shalt  }
0x82: {  	_ =	shalt  }
0x83: {  	_ =	shalt  }
0x84: {  	_ =	shalt  }
0x85: {  	_ =	shalt  }
0x86: {  	_ =	shalt  }
0x87: {  	_ =	shalt  }
.Lfunc_end0:
.L_simem_size_0:
called_computation.1_lowered:
.L_overlay_start_0:
0x88: {  	s2 =	sld [smem:$0x3FD9]  }
0x89: {  	s3 =	sld [smem:$0x3FFE];
	_ =	sdelay $0x1  }
0x8a: {  	s1 =	srdreg.scid  }
0x8b: {  	s0 =	sand.u32 $0x1, s1  }
0x8c: {  	s17 =	sshll.u32 s0, $0xA;
	s2 =	sadd.s32 s3, s2  }
0x8d: {  	s2 =	sadd.s32 s2, s17  }
0x8e: {  	[smem:$0x3FC4] =	sst s2  }
0x8f: {  	_ = 	snop  }
0x90: {  	s2 =	sld [smem:$0x3FD0];
	(tm) =	ssettm $0x1  }
0x91: {  	s18 =	sld [smem:$0x3FFB];
	_ =	sdelay $0x3  }
0x92: {  	_ =	strace s18  }
0x93: {  	s3 =	sld [smem:$0x3FFC];
	_ =	sdelay $0x3  }
0x94: {  	_ =	strace s3  }
0x95: {  	s3 =	sld [smem:$0x3FFD];
	_ =	sdelay $0x3  }
0x96: {  	_ =	strace s3  }
0x97: {  	_ =	strace $0x8FFFFFFF  }
0x98: {  	s19 =	sld [smem:$0x3FDB];
	_ =	sdelay $0x1  }
0x99: {  	s4 =	simm.s32 $_scs_section_size  }
0x9a: {  	s5 =	simm.s32 $_size__tile_overlayer_lowered;
	s6 =	simm.s32 $_tile_overlayer_lowered  }
0x9b: {  	s22 =	simm.s32 $0x1BFF;
	s21 =	sshll.u32 s6, $0x1;
	s3 =	sadd.s32 s4, s19  }
0x9c: {  	s7 =	simm.s32 $0x0;
	s20 =	sshll.u32 s5, $0x1;
	s5 =	sadd.s32 s21, s3  }
0x9d: {  	[timem:s7], [sflag:s22] =	dma.local [hbm:s5], s20  }
0x9e: {  	_ =	swait.ge [sflag:s22], s20  }
0x9f: {  	s4 =	ssub.s32 $0x0, s20;
	[sflag:s22] =	ssyncset.done $0x0  }
0xa0: {  	[sflag:s22] =	ssyncadd.s32 s4;
	_ =	sdelay $0x1  }
0xa1: {  	s23 =	simm.s32 $0x1B8B  }
0xa2: {  	_ =	swait.ge [sflag:s23], $0x1  }
0xa3: {  	[sflag:s23] =	ssyncset.done $0x0  }
0xa4: {  	s25 =	simm.s32 $0x1B8E;
	s24 =	sld [smem:$0x3FFE];
	[sflag:s23] =	ssyncadd.s32 $0xFFFFFFFF  }
0xa5: {  	s26 =	simm.s32 $execute0_lowered;
	[smem:$0x3FD2] =	sst s25  }
0xa6: {  	s5 =	sshll.u32 s26, $0x1;
	_ =	strace $0x80000049;
	[dreg:$0x1] =	wrdreg $0xFFFFFFFF  }
0xa7: {  	s28 =	simm.s32 $_size_execute0_lowered;
	s3 =	sadd.s32 s3, s5;
	[dreg:$0x0] =	wrdreg $0x0  }
0xa8: {  	s5 =	sshll.u32 s28, $0x1;
	[dreg:$0x2] =	wrdreg s3  }
0xa9: {  	[dreg:$0x3] =	wrdreg s5  }
0xaa: {  	[dreg:$0x4] =	wrdreg $0xC0  }
0xab: {  	_ =	task [dreg:s7], $0x5FFFF  }
0xac: {  	[dreg:$0x1] =	wrdreg $0xFFFFFFFF  }
0xad: {  	[dreg:$0x0] =	wrdreg $0x60  }
0xae: {  	[dreg:$0x2] =	wrdreg s24  }
0xaf: {  	[dreg:$0x3] =	wrdreg s2  }
0xb0: {  	[dreg:$0x4] =	wrdreg $0xA8000  }
0xb1: {  	[dreg:$0x5] =	wrdreg $0x9  }
0xb2: {  	_ =	task.clear_ibuf [dreg:s7], $0x6FFFF;
	_ =	strace $0x90000049  }
0xb3: {  	s29 =	simm.s32 $0x9;
	_ =	strace $0x8000004B  }
0xb4: {  	_ =	swait.ge [sflag:s29], $0x1  }
0xb5: {  	[sflag:s29] =	ssyncadd.s32 $0xFFFFFFFF  }
0xb6: {  	_ =	strace $0x9000004B  }
0xb7: {  	_ =	sfence  }
0xb8: {  	s30 =	sld [smem:$0x0];
	_ =	sdelay $0x2  }
0xb9: {  	s31 =	sshll.u32 s1, $0xD;
	s1 =	sshrl.u32 s1, $0x2  }
0xba: {  	s3 =	sand.u32 $0x4000, s31;
	s1 =	sadd.s32 s1, s30  }
0xbb: {  	s0 =	sor.u32 s3, s0;
	s1 =	sshll.u32 s1, $0x11  }
0xbc: {  	s0 =	sor.u32 s1, s0  }
0xbd: {  	s0 =	sadd.s32 $0x8F2B, s0  }
0xbe: {  	[sflag:s0] =	ssyncadd.remote.s32 $0x1  }
0xbf: {  	_ =	sfence.sel $0xFFFF  }
0xc0: {  	[dreg:$0x0] =	wrdreg $0xFFFFFFFF;
	(pc) =	sbr.abs _section_cstart, $3  }
0xc1: {  	[dreg:$0x1] =	wrdreg $0xFFFFFFFF  }
0xc2: {  	_ =	task.clear_ibuf [dreg:s7], $0x2FFFF;
	_ =	strace $0x9FFFFFFF  }
0xc3: {  	(tm) =	ssettm $0x7FFFFFFF  }
tec
execute0_lowered:
.L_overlay_start_1:
0x0: {  	(tag) =	ssettag $0x1  }
0x1: {  	s1 =	rddreg [dreg:$0x0]  }
0x2: {  	s0 =	srdreg.scid;
	s10 =	rddreg [dreg:$0x1]  }
0x3: {  	s2 =	rddreg [dreg:$0x2];
	s3 =	simm.s32 $0x0;
	s17 =	simm.s32 $0x2800  }
0x4: {  	s18 =	simm.s32 $0x3;
	s19 =	simm.s32 $0x1400;
	s20 =	simm.s32 $0x80  }
0x5: {  	s21 =	simm.s32 $0x6800;
	s22 =	simm.s32 $0x1;
	s23 =	simm.s32 $0x4  }
0x6: {  	s24 =	simm.s32 $0x2;
	s25 =	simm.s32 $0x1380;
	s5 =	sand.u32 $0x1, s0  }
0x7: {  	s28 =	simm.s32 $0x2780;
	s0 =	stileid.u32;
	s4 =	smul.u32 $0x13C000, s5  }
0x8: {  	s29 =	simm.s32 $0x0;
	[smem:$0x7FF] =	sst s3;
	s6 =	smul.u32 $0x13C00, s0  }
0x9: {  	_ =	strace $0x8000004A;
	s26 =	smul.u32 $0x4F000, s0;
	s7 =	sshll.u32 s0, $0x1  }
0xa: {  	s8 =	ssub.s32 $0x2, s5;
	s9 =	smul.u32 $0x2780, s0;
	p0 =	seq.s32 s5, $0x1  }
0xb: {  	s7 =	sor.u32 s5, s7;
	s11 =	sshrl.u32 s8, $0x1;
	s6 =	sadd.s32 s6, s4  }
0xc: {  	s4 =	sadd.s32 $0x1A00, s1;
	s12 =	smul.u32 $0x2800, s7;
	s16 =	ssub.s32 s8, s11  }
0xd: {  	s6 =	sshrl.u32 s6, $0x3;
	s30 =	sadd.s32 s4, s9;
	s16 =	smax.u32 s16, $0x1  }
0xe: {  	s1 =	sadd.s32 s6, s1;
	s6 =	sshrl.u32 s26, $0x2;
	[dreg:$0x4] =	wrdreg s30  }
0xf: {  	s31 =	sshrl.u32 s12, $0x3;
	s26 =	simm.s32 $0x2700;
	s5 =	sadd.s32 s6, s2  }
0x10: {  	s10 =	sadd.s32 s10, s31;
	s15 =	sadd.s32 $0x29200, s1;
	s7 =	sadd.s32 $0x4000, s5  }
0x11: {  	s8 =	sadd.s32 $0x8000, s5;
	s9 =	sadd.s32 $0xC000, s5;
	s11 =	sadd.s32 $0x10000, s5  }
0x12: {  	v0 =	vimm.f32 $0.0e+00;
	s12 =	sadd.s32 $0xA000, s10;
	s13 =	sadd.s32 $0x280, s10;
	s14 =	sadd.s32 $0xA280, s10  }
.LBB2_1:
.Ltmp0:
0x13: {  	(pc) =	sbr.rel @!p0 .LBB2_2-.Ltmp0, $1  }
0x14: {  	_ =	sdelay $0x3  }
0x15: {  	s3 =	simm.s32 $0x0  }
0x16: {  	s1 =	sand.u32 $0xFE00, s3  }
0x17: {  	s31 =	sand.u32 $0x70, s3;
	s1 =	sshrl.u32 s1, $0x2  }
0x18: {  	s30 =	simm.s32 $0x40;
	s1 =	sor.u32 s31, s1;
	s31 =	simm.s32 $0x0  }
.LBB2_4:
0x19: {  	p1 =	sne.s32 s30, $0xFFC0  }
0x1a: {  	[tilespmem:s1+$0x2800] =	vst v0;
	s31 =	sadd.s32 $0x10, s31;
	s1 =	smov.u32 s30;
	s30 =	sadd.s32 $0x40, s30  }
.Ltmp1:
0x1b: {  	(pc) =	sbr.rel @p1 .LBB2_4-.Ltmp1, $4  }
0x1c: {  	_ = 	snop  }
0x1d: {  	s1 =	sand.u32 $0xFE00, s1  }
0x1e: {  	s3 =	sand.u32 $0x70, s31;
	s1 =	sshrl.u32 s1, $0x2  }
0x1f: {  	s1 =	sor.u32 s3, s1  }
0x20: {  	[tilespmem:s1+$0x2800] =	vst v0  }
0x21: {  	[spmem:s5] =	stream.linear.scatter [tilespmem:s17], [sflag:$0x3], $0x4000, $0x38;
	[tilespmem:$0x1E400] =	vst v63  }
0x22: {  	_ =	swait.ge [sflag:s18], $0x4000  }
0x23: {  	[sflag:s18] =	ssyncset.done $0x0  }
0x24: {  	[sflag:s18] =	ssyncadd.s32 $0xFFFFC000  }
0x25: {  	[spmem:s7] =	stream.linear.scatter [tilespmem:s17], [sflag:$0x3], $0x4000, $0x38;
	[tilespmem:$0x1E400] =	vst v63  }
0x26: {  	_ =	swait.ge [sflag:s18], $0x4000  }
0x27: {  	[sflag:s18] =	ssyncset.done $0x0  }
0x28: {  	[sflag:s18] =	ssyncadd.s32 $0xFFFFC000  }
0x29: {  	[spmem:s8] =	stream.linear.scatter [tilespmem:s17], [sflag:$0x3], $0x4000, $0x38;
	[tilespmem:$0x1E400] =	vst v63  }
0x2a: {  	_ =	swait.ge [sflag:s18], $0x4000  }
0x2b: {  	[sflag:s18] =	ssyncset.done $0x0  }
0x2c: {  	[sflag:s18] =	ssyncadd.s32 $0xFFFFC000  }
0x2d: {  	[spmem:s9] =	stream.linear.scatter [tilespmem:s17], [sflag:$0x3], $0x4000, $0x38;
	[tilespmem:$0x1E400] =	vst v63  }
0x2e: {  	_ =	swait.ge [sflag:s18], $0x4000  }
0x2f: {  	[sflag:s18] =	ssyncset.done $0x0  }
.Ltmp2:
0x30: {  	[sflag:s18] =	ssyncadd.s32 $0xFFFFC000;
	(pc) =	sbr.rel .LBB2_6-.Ltmp2, $4  }
0x31: {  	[spmem:s11] =	stream.linear.scatter [tilespmem:s17], [sflag:$0x3], $0x3C00, $0x38;
	[tilespmem:$0x1E400] =	vst v63  }
0x32: {  	_ =	swait.ge [sflag:s18], $0x3C00  }
0x33: {  	[sflag:s18] =	ssyncset.done $0x0  }
0x34: {  	[sflag:s18] =	ssyncadd.s32 $0xFFFFC400  }
.LBB2_2:
0x35: {  	s1 =	sshll.u32 s0, $0x6  }
0x36: {  	s30 =	sshrl.u32 s5, $0x3;
	s3 =	rddreg [dreg:$0x4];
	s1 =	sor.u32 $0x1C03, s1  }
0x37: {  	[spmem:s30], [sflag:s1] =	dma.local [hbm:s3], $0x2780  }
0x38: {  	_ =	swait.ge [sflag:s18], $0x2780  }
0x39: {  	[sflag:s18] =	ssyncset.done $0x0  }
0x3a: {  	[sflag:s18] =	ssyncadd.s32 $0xFFFFD880  }
.LBB2_6:
0x3b: {  	[bflag:$0x0] =	sbarrier.arrive $0xFFFF;
	s1 =	simm.s32 $0x0  }
0x3c: {  	[tilespmem:s1], [sflag:$0x3] =	stream.linear.gather [hbm4b:s10+s1], $0x1400, $0x38;
	[tilespmem:$0x1E400] =	vst v63  }
0x3d: {  	_ =	swait.ge [sflag:s18], $0x1400  }
0x3e: {  	[sflag:s18] =	ssyncset.done $0x0  }
0x3f: {  	[sflag:s18] =	ssyncadd.s32 $0xFFFFEC00  }
0x40: {  	[tilespmem:s19], [sflag:$0x3] =	stream.linear.gather [hbm4b:s12+s1], $0x1400, $0x38;
	[tilespmem:$0x1E400] =	vst v63  }
0x41: {  	_ =	swait.ge [sflag:s18], $0x1400  }
0x42: {  	[sflag:s18] =	ssyncset.done $0x0  }
0x43: {  	[sflag:s18] =	ssyncadd.s32 $0xFFFFEC00  }
0x44: {  	[tilespmem:s17], [sflag:$0x1] =	stream.indirect.gather [hbm4b:s4+s20], $0x80, s1, s20, $0xb8;
	[tilespmem:$0x1E400] =	vst v63  }
0x45: {  	s3 =	simm.s32 $0x80  }
0x46: {  	[tilespmem:s21], [sflag:$0x2] =	stream.indirect.gather [hbm4b:s4+s20], $0x80, s3, s20, $0xb8;
	[tilespmem:$0x1E400] =	vst v63  }
0x47: {  	_ =	swait.ge [sflag:s22], $0x4000  }
0x48: {  	[sflag:s22] =	ssyncset.done $0x0  }
0x49: {  	s6 =	simm.s32 $0x1400;
	[sflag:s22] =	ssyncadd.s32 $0xFFFFC000  }
0x4a: {  	[spmem:s2] =	stream.indirect.scatter.add.f32 [tilespmem:s17], [sflag:$0x4], $0x80, s6, s20, $0xb8;
	[tilespmem:$0x1E400] =	vst v63  }
0x4b: {  	_ =	swait.ge [sflag:s23], $0x4000  }
0x4c: {  	[sflag:s23] =	ssyncset.done $0x0  }
0x4d: {  	s3 =	simm.s32 $0x100;
	[sflag:s23] =	ssyncadd.s32 $0xFFFFC000  }
0x4e: {  	[tilespmem:s17], [sflag:$0x1] =	stream.indirect.gather [hbm4b:s4+s20], $0x80, s3, s20, $0xb8;
	[tilespmem:$0x1E400] =	vst v63  }
0x4f: {  	_ =	swait.ge [sflag:s24], $0x4000  }
0x50: {  	[sflag:s24] =	ssyncset.done $0x0  }
0x51: {  	s6 =	simm.s32 $0x1480;
	[sflag:s24] =	ssyncadd.s32 $0xFFFFC000  }
0x52: {  	[spmem:s2] =	stream.indirect.scatter.add.f32 [tilespmem:s21], [sflag:$0x3], $0x80, s6, s20, $0xb8;
	[tilespmem:$0x1E400] =	vst v63  }
0x53: {  	_ =	swait.ge [sflag:s18], $0x4000  }
0x54: {  	s31 =	simm.s32 $0x800;
	s30 =	simm.s32 $0x100;
	[sflag:s18] =	ssyncset.done $0x0  }
.LBB2_7:
0x55: {  	s1 =	sadd.s32 $0x80, s30  }
0x56: {  	[sflag:s18] =	ssyncadd.s32 $0xFFFFC000;
	s3 =	smov.u32 s31;
	s6 =	sadd.s32 $0x400, s31  }
0x57: {  	[tilespmem:s21], [sflag:$0x2] =	stream.indirect.gather [hbm4b:s4+s20], $0x80, s1, s20, $0xb8;
	[tilespmem:$0x1E400] =	vst v63  }
0x58: {  	p1 =	sne.s32 s31, $0x4800;
	_ =	swait.ge [sflag:s22], $0x4000  }
0x59: {  	[sflag:s22] =	ssyncset.done $0x0  }
0x5a: {  	s1 =	sadd.s32 $0x1400, s30;
	[sflag:s22] =	ssyncadd.s32 $0xFFFFC000  }
0x5b: {  	[spmem:s2] =	stream.indirect.scatter.add.f32 [tilespmem:s17], [sflag:$0x4], $0x80, s1, s20, $0xb8;
	[tilespmem:$0x1E400] =	vst v63  }
0x5c: {  	_ =	swait.ge [sflag:s23], $0x4000  }
0x5d: {  	[sflag:s23] =	ssyncset.done $0x0  }
0x5e: {  	s1 =	sadd.s32 $0x100, s30;
	[sflag:s23] =	ssyncadd.s32 $0xFFFFC000  }
0x5f: {  	[tilespmem:s17], [sflag:$0x1] =	stream.indirect.gather [hbm4b:s4+s20], $0x80, s1, s20, $0xb8;
	[tilespmem:$0x1E400] =	vst v63  }
0x60: {  	_ =	swait.ge [sflag:s24], $0x4000  }
.Ltmp3:
0x61: {  	[sflag:s24] =	ssyncset.done $0x0;
	(pc) =	sbr.rel @p1 .LBB2_7-.Ltmp3, $4  }
0x62: {  	s1 =	sadd.s32 $0x1480, s30;
	[sflag:s24] =	ssyncadd.s32 $0xFFFFC000  }
0x63: {  	[spmem:s2] =	stream.indirect.scatter.add.f32 [tilespmem:s21], [sflag:$0x3], $0x80, s1, s20, $0xb8;
	[tilespmem:$0x1E400] =	vst v63  }
0x64: {  	_ =	swait.ge [sflag:s18], $0x4000  }
0x65: {  	s31 =	smov.u32 s6;
	s30 =	sshra.s32 s3, $0x2;
	[sflag:s18] =	ssyncset.done $0x0  }
0x66: {  	s1 =	sadd.s32 $0x80, s30;
	[sflag:s18] =	ssyncadd.s32 $0xFFFFC000  }
0x67: {  	[tilespmem:s21], [sflag:$0x2] =	stream.indirect.gather [hbm4b:s4+s20], $0x80, s1, s20, $0xb8;
	[tilespmem:$0x1E400] =	vst v63  }
0x68: {  	_ =	swait.ge [sflag:s22], $0x4000  }
0x69: {  	[sflag:s22] =	ssyncset.done $0x0  }
0x6a: {  	s3 =	sadd.s32 $0x1400, s30;
	[sflag:s22] =	ssyncadd.s32 $0xFFFFC000  }
0x6b: {  	[spmem:s2] =	stream.indirect.scatter.add.f32 [tilespmem:s17], [sflag:$0x4], $0x80, s3, s20, $0xb8;
	[tilespmem:$0x1E400] =	vst v63  }
0x6c: {  	_ =	swait.ge [sflag:s23], $0x4000  }
0x6d: {  	[sflag:s23] =	ssyncset.done $0x0  }
0x6e: {  	s6 =	sadd.s32 $0x100, s30;
	[sflag:s23] =	ssyncadd.s32 $0xFFFFC000  }
0x6f: {  	[tilespmem:s17], [sflag:$0x1] =	stream.indirect.gather [hbm4b:s4+s20], $0x80, s6, s20, $0xb8;
	[tilespmem:$0x1E400] =	vst v63  }
0x70: {  	_ =	swait.ge [sflag:s24], $0x4000  }
0x71: {  	[sflag:s24] =	ssyncset.done $0x0  }
0x72: {  	s3 =	sadd.s32 $0x1480, s30;
	[sflag:s24] =	ssyncadd.s32 $0xFFFFC000  }
0x73: {  	[spmem:s2] =	stream.indirect.scatter.add.f32 [tilespmem:s21], [sflag:$0x3], $0x80, s3, s20, $0xb8;
	[tilespmem:$0x1E400] =	vst v63  }
0x74: {  	_ =	swait.ge [sflag:s18], $0x4000  }
0x75: {  	[sflag:s18] =	ssyncset.done $0x0  }
0x76: {  	[sflag:s18] =	ssyncadd.s32 $0xFFFFC000  }
0x77: {  	[tilespmem:s21], [sflag:$0x2] =	stream.indirect.gather [hbm4b:s4+s20], $0x80, s25, s20, $0xb8;
	[tilespmem:$0x1E400] =	vst v63  }
0x78: {  	_ =	swait.ge [sflag:s22], $0x4000  }
0x79: {  	[sflag:s22] =	ssyncset.done $0x0  }
0x7a: {  	[sflag:s22] =	ssyncadd.s32 $0xFFFFC000  }
0x7b: {  	[spmem:s2] =	stream.indirect.scatter.add.f32 [tilespmem:s17], [sflag:$0x4], $0x80, s26, s20, $0xb8;
	[tilespmem:$0x1E400] =	vst v63  }
0x7c: {  	_ =	swait.ge [sflag:s23], $0x4000  }
0x7d: {  	[sflag:s23] =	ssyncset.done $0x0  }
0x7e: {  	[sflag:s23] =	ssyncadd.s32 $0xFFFFC000  }
0x7f: {  	_ =	swait.ge [sflag:s24], $0x4000  }
0x80: {  	[sflag:s24] =	ssyncset.done $0x0  }
0x81: {  	[sflag:s24] =	ssyncadd.s32 $0xFFFFC000  }
0x82: {  	[spmem:s2] =	stream.indirect.scatter.add.f32 [tilespmem:s21], [sflag:$0x3], $0x80, s28, s20, $0xb8;
	[tilespmem:$0x1E400] =	vst v63  }
0x83: {  	_ =	swait.ge [sflag:s18], $0x4000  }
0x84: {  	[sflag:s18] =	ssyncset.done $0x0  }
0x85: {  	s6 =	simm.s32 $0x0;
	[sflag:s18] =	ssyncadd.s32 $0xFFFFC000  }
0x86: {  	[tilespmem:s6], [sflag:$0x3] =	stream.linear.gather [hbm4b:s13+s6], $0x1400, $0x38;
	[tilespmem:$0x1E400] =	vst v63  }
0x87: {  	_ =	swait.ge [sflag:s18], $0x1400  }
0x88: {  	[sflag:s18] =	ssyncset.done $0x0  }
0x89: {  	[sflag:s18] =	ssyncadd.s32 $0xFFFFEC00  }
0x8a: {  	[tilespmem:s19], [sflag:$0x3] =	stream.linear.gather [hbm4b:s14+s6], $0x1400, $0x38;
	[tilespmem:$0x1E400] =	vst v63  }
0x8b: {  	_ =	swait.ge [sflag:s18], $0x1400  }
0x8c: {  	[sflag:s18] =	ssyncset.done $0x0  }
0x8d: {  	[sflag:s18] =	ssyncadd.s32 $0xFFFFEC00  }
0x8e: {  	[tilespmem:s17], [sflag:$0x1] =	stream.indirect.gather [hbm4b:s4+s20], $0x80, s6, s20, $0xb8;
	[tilespmem:$0x1E400] =	vst v63  }
0x8f: {  	s3 =	simm.s32 $0x80  }
0x90: {  	[tilespmem:s21], [sflag:$0x2] =	stream.indirect.gather [hbm4b:s4+s20], $0x80, s3, s20, $0xb8;
	[tilespmem:$0x1E400] =	vst v63  }
0x91: {  	_ =	swait.ge [sflag:s22], $0x4000  }
0x92: {  	[sflag:s22] =	ssyncset.done $0x0  }
0x93: {  	s6 =	simm.s32 $0x1400;
	[sflag:s22] =	ssyncadd.s32 $0xFFFFC000  }
0x94: {  	[spmem:s2] =	stream.indirect.scatter.add.f32 [tilespmem:s17], [sflag:$0x4], $0x80, s6, s20, $0xb8;
	[tilespmem:$0x1E400] =	vst v63  }
0x95: {  	_ =	swait.ge [sflag:s23], $0x4000  }
0x96: {  	[sflag:s23] =	ssyncset.done $0x0  }
0x97: {  	s3 =	simm.s32 $0x100;
	[sflag:s23] =	ssyncadd.s32 $0xFFFFC000  }
0x98: {  	[tilespmem:s17], [sflag:$0x1] =	stream.indirect.gather [hbm4b:s4+s20], $0x80, s3, s20, $0xb8;
	[tilespmem:$0x1E400] =	vst v63  }
0x99: {  	_ =	swait.ge [sflag:s24], $0x4000  }
0x9a: {  	[sflag:s24] =	ssyncset.done $0x0  }
0x9b: {  	s6 =	simm.s32 $0x1480;
	[sflag:s24] =	ssyncadd.s32 $0xFFFFC000  }
0x9c: {  	[spmem:s2] =	stream.indirect.scatter.add.f32 [tilespmem:s21], [sflag:$0x3], $0x80, s6, s20, $0xb8;
	[tilespmem:$0x1E400] =	vst v63  }
0x9d: {  	_ =	swait.ge [sflag:s18], $0x4000  }
0x9e: {  	s31 =	simm.s32 $0x800;
	s30 =	simm.s32 $0x100;
	[sflag:s18] =	ssyncset.done $0x0  }
.LBB2_9:
0x9f: {  	s1 =	sadd.s32 $0x80, s30  }
0xa0: {  	[sflag:s18] =	ssyncadd.s32 $0xFFFFC000;
	s3 =	smov.u32 s31;
	s6 =	sadd.s32 $0x400, s31  }
0xa1: {  	[tilespmem:s21], [sflag:$0x2] =	stream.indirect.gather [hbm4b:s4+s20], $0x80, s1, s20, $0xb8;
	[tilespmem:$0x1E400] =	vst v63  }
0xa2: {  	p1 =	sne.s32 s31, $0x4800;
	_ =	swait.ge [sflag:s22], $0x4000  }
0xa3: {  	[sflag:s22] =	ssyncset.done $0x0  }
0xa4: {  	s1 =	sadd.s32 $0x1400, s30;
	[sflag:s22] =	ssyncadd.s32 $0xFFFFC000  }
0xa5: {  	[spmem:s2] =	stream.indirect.scatter.add.f32 [tilespmem:s17], [sflag:$0x4], $0x80, s1, s20, $0xb8;
	[tilespmem:$0x1E400] =	vst v63  }
0xa6: {  	_ =	swait.ge [sflag:s23], $0x4000  }
0xa7: {  	[sflag:s23] =	ssyncset.done $0x0  }
0xa8: {  	s1 =	sadd.s32 $0x100, s30;
	[sflag:s23] =	ssyncadd.s32 $0xFFFFC000  }
0xa9: {  	[tilespmem:s17], [sflag:$0x1] =	stream.indirect.gather [hbm4b:s4+s20], $0x80, s1, s20, $0xb8;
	[tilespmem:$0x1E400] =	vst v63  }
0xaa: {  	_ =	swait.ge [sflag:s24], $0x4000  }
.Ltmp4:
0xab: {  	[sflag:s24] =	ssyncset.done $0x0;
	(pc) =	sbr.rel @p1 .LBB2_9-.Ltmp4, $4  }
0xac: {  	s1 =	sadd.s32 $0x1480, s30;
	[sflag:s24] =	ssyncadd.s32 $0xFFFFC000  }
0xad: {  	[spmem:s2] =	stream.indirect.scatter.add.f32 [tilespmem:s21], [sflag:$0x3], $0x80, s1, s20, $0xb8;
	[tilespmem:$0x1E400] =	vst v63  }
0xae: {  	_ =	swait.ge [sflag:s18], $0x4000  }
0xaf: {  	s31 =	smov.u32 s6;
	s30 =	sshra.s32 s3, $0x2;
	[sflag:s18] =	ssyncset.done $0x0  }
0xb0: {  	s1 =	sadd.s32 $0x80, s30;
	[sflag:s18] =	ssyncadd.s32 $0xFFFFC000  }
0xb1: {  	[tilespmem:s21], [sflag:$0x2] =	stream.indirect.gather [hbm4b:s4+s20], $0x80, s1, s20, $0xb8;
	[tilespmem:$0x1E400] =	vst v63  }
0xb2: {  	_ =	swait.ge [sflag:s22], $0x4000  }
0xb3: {  	[sflag:s22] =	ssyncset.done $0x0  }
0xb4: {  	s3 =	sadd.s32 $0x1400, s30;
	[sflag:s22] =	ssyncadd.s32 $0xFFFFC000  }
0xb5: {  	[spmem:s2] =	stream.indirect.scatter.add.f32 [tilespmem:s17], [sflag:$0x4], $0x80, s3, s20, $0xb8;
	[tilespmem:$0x1E400] =	vst v63  }
0xb6: {  	_ =	swait.ge [sflag:s23], $0x4000  }
0xb7: {  	[sflag:s23] =	ssyncset.done $0x0  }
0xb8: {  	s6 =	sadd.s32 $0x100, s30;
	[sflag:s23] =	ssyncadd.s32 $0xFFFFC000  }
0xb9: {  	[tilespmem:s17], [sflag:$0x1] =	stream.indirect.gather [hbm4b:s4+s20], $0x80, s6, s20, $0xb8;
	[tilespmem:$0x1E400] =	vst v63  }
0xba: {  	_ =	swait.ge [sflag:s24], $0x4000  }
0xbb: {  	[sflag:s24] =	ssyncset.done $0x0  }
0xbc: {  	s30 =	sadd.s32 $0x1480, s30;
	[sflag:s24] =	ssyncadd.s32 $0xFFFFC000  }
0xbd: {  	[spmem:s2] =	stream.indirect.scatter.add.f32 [tilespmem:s21], [sflag:$0x3], $0x80, s30, s20, $0xb8;
	[tilespmem:$0x1E400] =	vst v63  }
0xbe: {  	_ =	swait.ge [sflag:s18], $0x4000  }
0xbf: {  	[sflag:s18] =	ssyncset.done $0x0  }
0xc0: {  	[sflag:s18] =	ssyncadd.s32 $0xFFFFC000  }
0xc1: {  	[tilespmem:s21], [sflag:$0x2] =	stream.indirect.gather [hbm4b:s4+s20], $0x80, s25, s20, $0xb8;
	[tilespmem:$0x1E400] =	vst v63  }
0xc2: {  	_ =	swait.ge [sflag:s22], $0x4000  }
0xc3: {  	[sflag:s22] =	ssyncset.done $0x0  }
0xc4: {  	[sflag:s22] =	ssyncadd.s32 $0xFFFFC000  }
0xc5: {  	[spmem:s2] =	stream.indirect.scatter.add.f32 [tilespmem:s17], [sflag:$0x4], $0x80, s26, s20, $0xb8;
	[tilespmem:$0x1E400] =	vst v63  }
0xc6: {  	_ =	swait.ge [sflag:s23], $0x4000  }
0xc7: {  	[sflag:s23] =	ssyncset.done $0x0  }
0xc8: {  	[sflag:s23] =	ssyncadd.s32 $0xFFFFC000  }
0xc9: {  	_ =	swait.ge [sflag:s24], $0x4000  }
0xca: {  	[sflag:s24] =	ssyncset.done $0x0  }
0xcb: {  	[sflag:s24] =	ssyncadd.s32 $0xFFFFC000  }
0xcc: {  	[spmem:s2] =	stream.indirect.scatter.add.f32 [tilespmem:s21], [sflag:$0x3], $0x80, s28, s20, $0xb8;
	[tilespmem:$0x1E400] =	vst v63  }
0xcd: {  	_ =	swait.ge [sflag:s18], $0x4000  }
0xce: {  	s31 =	sshll.u32 s0, $0x6;
	s29 =	sadd.s32 $0x1, s29;
	[sflag:s18] =	ssyncset.done $0x0  }
0xcf: {  	s1 =	sor.u32 $0x1C03, s31;
	p1 =	sne.s32 s29, s16;
	[sflag:s18] =	ssyncadd.s32 $0xFFFFC000  }
.Ltmp5:
0xd0: {  	s3 =	sshrl.u32 s5, $0x3;
	[bflag:$0x0] =	sbarrier.arrive $0xFFFF;
	(pc) =	sbr.rel @p1 .LBB2_1-.Ltmp5, $4  }
0xd1: {  	[hbm:s15], [sflag:s1] =	dma.local [spmem:s3], $0x2780  }
0xd2: {  	_ =	swait.ge [sflag:s18], $0x2780  }
0xd3: {  	[sflag:s18] =	ssyncset.done $0x0  }
0xd4: {  	[sflag:s18] =	ssyncadd.s32 $0xFFFFD880  }
0xd5: {  	_ =	sfence.sel $0x180000  }
0xd6: {  	[bflag:$0x0] =	sbarrier.arrive $0xFFFF  }
0xd7: {  	_ =	strace $0x9000004A  }
0xd8: {  	[bflag:$0x2] =	sbarrier.arrive $0xFFFF  }
0xd9: {  	p0 =	sne.s32 s0, $0x0;
	s0 =	rddreg [dreg:$0x3]  }
0xda: {  	s0 =	sadd.s32 @!p0 $0x100000, s0  }
0xdb: {  	[sflag:s0] =	ssyncadd.tile.s32 @!p0 $0x1;
	_ =	shalt  }
.Lfunc_end2:
_tile_overlayer_lowered:
.L_overlay_start_2:
0xdc: {  	(tag) =	ssettag $0x2  }
0xdd: {  	s0 =	rddreg [dreg:$0x0];
	s2 =	stileid.u32  }
0xde: {  	s1 =	rddreg [dreg:$0x1];
	p0 =	sne.s32 s2, $0x0  }
0xdf: {  	s3 =	rddreg [dreg:$0x2];
	[bflag:$0x3] =	sbarrier.arrive $0xFFFF;
	s2 =	simm.s32 @!p0 $0x1C03  }
0xe0: {  	[timem:s3], [sflag:s2] =	dma.local @!p0 [hbm:s0], s1  }
0xe1: {  	s0 =	simm.s32 @!p0 $0x3  }
0xe2: {  	_ =	swait.ge @!p0 [sflag:s0], s1  }
0xe3: {  	s1 =	ssub.s32 @!p0 $0x0, s1;
	[sflag:s0] =	ssyncset.done @!p0 $0x0  }
0xe4: {  	[sflag:s0] =	ssyncadd.s32 @!p0 s1  }
0xe5: {  	[bflag:$0x3] =	sbarrier.arrive $0xFFFF  }
0xe6: {  	_ =	shalt  }

// kernel: kernel.7.cloned.1.call-start
scs
__scs_entry_jumppad:
0x0: {  	(pc) =	sbr.rel $0x88, $3  }
0x1: {  	(tag) =	ssettag $0x0;
	lr =	simm.s32 $0x1  }
0x2: {  	[smem:$0x3F9D] =	sst lr;
	_ =	strace $0xD0000000  }
0x3: {  	_ = 	snop  }
0x4: {  	_ = 	snop  }
0x5: {  	_ = 	snop  }
0x6: {  	_ = 	snop  }
0x7: {  	_ = 	snop  }
__scs_overlays_trampoline_lowered:
0x8: {  	[smem:$0x3FAC] =	sst s0  }
0x9: {  	[smem:$0x3FAD] =	sst s1  }
0xa: {  	[smem:$0x3FAE] =	sst s2  }
0xb: {  	[smem:$0x3FAF] =	sst s3  }
0xc: {  	[smem:$0x3FB0] =	sst s4  }
0xd: {  	[smem:$0x3FB1] =	sst s5  }
0xe: {  	[smem:$0x3FB2] =	sst s6  }
0xf: {  	[smem:$0x3FB3] =	sst s7  }
0x10: {  	[smem:$0x3FB4] =	sst s8  }
0x11: {  	[smem:$0x3FB5] =	sst s9;
	s0 =	simm.s32 @!p0 $0x0  }
0x12: {  	s1 =	sld [smem:$0x3F9B];
	s0 =	simm.s32 @p0 $0x1  }
0x13: {  	[smem:$0x3FB6] =	sst s0;
	s0 =	simm.s32 @!p1 $0x0  }
0x14: {  	s2 =	sld [smem:$0x3F9A];
	s0 =	simm.s32 @p1 $0x1  }
0x15: {  	[smem:$0x3FB7] =	sst s0;
	s0 =	simm.s32 @!p2 $0x0  }
0x16: {  	s3 =	sld [smem:$0x3FDB];
	s0 =	simm.s32 @p2 $0x1  }
0x17: {  	s4 =	simm.s32 $0x1BF5;
	[smem:$0x3FB9] =	sst s0  }
0x18: {  	s0 =	sld [smem:$0x3F9C];
	_ =	swait.ge [sflag:s4], $0x0  }
0x19: {  	s7 =	sld [smem:$0x3F9D]  }
0x1a: {  	s8 =	sadd.s32 $0xFFFFE003, lr  }
0x1b: {  	s9 =	sadd.s32 $0xFFFFFEF7, lr;
	s5 =	simm.s32 $0xFFFFFFFF;
	p2 =	slt.u32 s8, $0xFFFFF086  }
0x1c: {  	p1 =	slt.u32 s9, $0xF7A;
	s5 =	simm.s32 @!p2 $0x0  }
0x1d: {  	s5 =	simm.s32 @p1 $0x1;
	p0 =	seq.s32 s7, s2  }
0x1e: {  	s7 =	smul.u32 @!p0 $0xF7A, s2;
	p2 =	seq.s32 @!p0 s5, $0x0  }
0x1f: {  	s9 =	smul.u32 $0xF7A, s1;
	s8 =	simm.s32 @!p0 $0x1BF5;
	p2 =	por !p2, p0  }
0x20: {  	[sflag:s8] =	ssyncset.s32 @!p0 $0xFFFFF086;
	s6 =	sadd.s32 @!p0 s3, s7;
	s7 =	simm.s32 @!p0 $0x108  }
0x21: {  	s3 =	sadd.s32 s3, s9;
	s6 =	sadd.s32 @!p0 $0x88, s6;
	s7 =	simm.s32 @p2 $0x1082  }
0x22: {  	[simem:s7], [sflag:s8] =	dma.local @!p0 [hbm:s6], $0xF7A  }
0x23: {  	s9 =	sor.u32 $0xD0000000, s2;
	s6 =	simm.s32 $0x108;
	_ =	swait.ge @!p0 [sflag:s8], $0x0  }
0x24: {  	s3 =	sadd.s32 $0x88, s3;
	s6 =	simm.s32 @!p1 $0x1082;
	[sflag:s4] =	ssyncset.s32 $0xFFFFF086  }
0x25: {  	[simem:s6], [sflag:s4] =	dma.local [hbm:s3], $0xF7A  }
0x26: {  	[smem:$0x3F9D] =	sst s1;
	(tag) =	ssettag s2;
	_ =	strace s9  }
0x27: {  	s1 =	sld [smem:$0x3FAD]  }
0x28: {  	s2 =	sld [smem:$0x3FAE]  }
0x29: {  	s4 =	sld [smem:$0x3FB0]  }
0x2a: {  	p0 =	seq.s32 s5, $0x0;
	s5 =	sld [smem:$0x3FB1]  }
0x2b: {  	s6 =	sld [smem:$0x3FB2]  }
0x2c: {  	s7 =	sld [smem:$0x3FB3]  }
0x2d: {  	s3 =	simm.s32 $0x108;
	s8 =	sld [smem:$0x3FB4]  }
0x2e: {  	s3 =	simm.s32 @!p0 $0x1082;
	s9 =	sld [smem:$0x3FB5]  }
0x2f: {  	lr =	sadd.s32 s0, s3;
	s0 =	sld [smem:$0x3FAC]  }
0x30: {  	s3 =	sld [smem:$0x3FAF]  }
0x31: {  	[smem:$0x3FB8] =	sst s10  }
0x32: {  	s10 =	sld [smem:$0x3FB6];
	_ =	sdelay $0x3  }
0x33: {  	p0 =	seq.s32 s10, $0x1;
	s10 =	sld [smem:$0x3FB8];
	_ =	sdelay $0x3  }
0x34: {  	[smem:$0x3FB8] =	sst s10  }
0x35: {  	s10 =	sld [smem:$0x3FB7];
	_ =	sdelay $0x3  }
0x36: {  	p1 =	seq.s32 s10, $0x1;
	s10 =	sld [smem:$0x3FB8];
	_ =	sdelay $0x3  }
0x37: {  	[smem:$0x3FB8] =	sst s10  }
0x38: {  	s10 =	sld [smem:$0x3FB9]  }
0x39: {  	_ = 	snop;
	(pc) =	sbr.ind lr, $3  }
0x3a: {  	_ = 	snop  }
0x3b: {  	_ = 	snop  }
0x3c: {  	p2 =	seq.s32 s10, $0x1;
	s10 =	sld [smem:$0x3FB8]  }
0x3d: {  	_ =	shalt  }
0x3e: {  	_ =	shalt  }
0x3f: {  	_ =	shalt  }
0x40: {  	_ =	shalt  }
0x41: {  	_ =	shalt  }
0x42: {  	_ =	shalt  }
0x43: {  	_ =	shalt  }
0x44: {  	_ =	shalt  }
0x45: {  	_ =	shalt  }
0x46: {  	_ =	shalt  }
0x47: {  	_ =	shalt  }
0x48: {  	_ =	shalt  }
0x49: {  	_ =	shalt  }
0x4a: {  	_ =	shalt  }
0x4b: {  	_ =	shalt  }
0x4c: {  	_ =	shalt  }
0x4d: {  	_ =	shalt  }
0x4e: {  	_ =	shalt  }
0x4f: {  	_ =	shalt  }
0x50: {  	_ =	shalt  }
0x51: {  	_ =	shalt  }
0x52: {  	_ =	shalt  }
0x53: {  	_ =	shalt  }
0x54: {  	_ =	shalt  }
0x55: {  	_ =	shalt  }
0x56: {  	_ =	shalt  }
0x57: {  	_ =	shalt  }
0x58: {  	_ =	shalt  }
0x59: {  	_ =	shalt  }
0x5a: {  	_ =	shalt  }
0x5b: {  	_ =	shalt  }
0x5c: {  	_ =	shalt  }
0x5d: {  	_ =	shalt  }
0x5e: {  	_ =	shalt  }
0x5f: {  	_ =	shalt  }
0x60: {  	_ =	shalt  }
0x61: {  	_ =	shalt  }
0x62: {  	_ =	shalt  }
0x63: {  	_ =	shalt  }
0x64: {  	_ =	shalt  }
0x65: {  	_ =	shalt  }
0x66: {  	_ =	shalt  }
0x67: {  	_ =	shalt  }
0x68: {  	_ =	shalt  }
0x69: {  	_ =	shalt  }
0x6a: {  	_ =	shalt  }
0x6b: {  	_ =	shalt  }
0x6c: {  	_ =	shalt  }
0x6d: {  	_ =	shalt  }
0x6e: {  	_ =	shalt  }
0x6f: {  	_ =	shalt  }
0x70: {  	_ =	shalt  }
0x71: {  	_ =	shalt  }
0x72: {  	_ =	shalt  }
0x73: {  	_ =	shalt  }
0x74: {  	_ =	shalt  }
0x75: {  	_ =	shalt  }
0x76: {  	_ =	shalt  }
0x77: {  	_ =	shalt  }
0x78: {  	_ =	shalt  }
0x79: {  	_ =	shalt  }
0x7a: {  	_ =	shalt  }
0x7b: {  	_ =	shalt  }
0x7c: {  	_ =	shalt  }
0x7d: {  	_ =	shalt  }
0x7e: {  	_ =	shalt  }
0x7f: {  	_ =	shalt  }
0x80: {  	_ =	shalt  }
0x81: {  	_ =	shalt  }
0x82: {  	_ =	shalt  }
0x83: {  	_ =	shalt  }
0x84: {  	_ =	shalt  }
0x85: {  	_ =	shalt  }
0x86: {  	_ =	shalt  }
0x87: {  	_ =	shalt  }
.Lfunc_end0:
.L_simem_size_0:
called_computation_lowered:
.L_overlay_start_0:
0x88: {  	s2 =	sld [smem:$0x3FD9]  }
0x89: {  	s3 =	sld [smem:$0x3FFE];
	_ =	sdelay $0x1  }
0x8a: {  	s1 =	srdreg.scid  }
0x8b: {  	s0 =	sand.u32 $0x1, s1  }
0x8c: {  	s17 =	sshll.u32 s0, $0xA;
	s2 =	sadd.s32 s3, s2  }
0x8d: {  	s2 =	sadd.s32 s2, s17  }
0x8e: {  	[smem:$0x3FC4] =	sst s2  }
0x8f: {  	_ = 	snop  }
0x90: {  	s2 =	sld [smem:$0x3FD0];
	(tm) =	ssettm $0x1  }
0x91: {  	s18 =	sld [smem:$0x3FFB];
	_ =	sdelay $0x3  }
0x92: {  	_ =	strace s18  }
0x93: {  	s3 =	sld [smem:$0x3FFC];
	_ =	sdelay $0x3  }
0x94: {  	_ =	strace s3  }
0x95: {  	s3 =	sld [smem:$0x3FFD];
	_ =	sdelay $0x3  }
0x96: {  	_ =	strace s3  }
0x97: {  	_ =	strace $0x8FFFFFFF  }
0x98: {  	s19 =	sld [smem:$0x3FDB];
	_ =	sdelay $0x1  }
0x99: {  	s4 =	simm.s32 $_scs_section_size  }
0x9a: {  	s5 =	simm.s32 $_size__tile_overlayer_lowered;
	s6 =	simm.s32 $_tile_overlayer_lowered  }
0x9b: {  	s22 =	simm.s32 $0x1BFF;
	s21 =	sshll.u32 s6, $0x1;
	s3 =	sadd.s32 s4, s19  }
0x9c: {  	s7 =	simm.s32 $0x0;
	s20 =	sshll.u32 s5, $0x1;
	s5 =	sadd.s32 s21, s3  }
0x9d: {  	[timem:s7], [sflag:s22] =	dma.local [hbm:s5], s20  }
0x9e: {  	_ =	swait.ge [sflag:s22], s20  }
0x9f: {  	s4 =	ssub.s32 $0x0, s20;
	[sflag:s22] =	ssyncset.done $0x0  }
0xa0: {  	[sflag:s22] =	ssyncadd.s32 s4;
	_ =	sdelay $0x1  }
0xa1: {  	s23 =	simm.s32 $0x1B8B  }
0xa2: {  	_ =	swait.ge [sflag:s23], $0x1  }
0xa3: {  	[sflag:s23] =	ssyncset.done $0x0  }
0xa4: {  	s25 =	simm.s32 $0x1B8E;
	s24 =	sld [smem:$0x3FFE];
	[sflag:s23] =	ssyncadd.s32 $0xFFFFFFFF  }
0xa5: {  	s26 =	simm.s32 $execute0_lowered;
	[smem:$0x3FD2] =	sst s25  }
0xa6: {  	s5 =	sshll.u32 s26, $0x1;
	_ =	strace $0x80000046;
	[dreg:$0x1] =	wrdreg $0xFFFFFFFF  }
0xa7: {  	s28 =	simm.s32 $_size_execute0_lowered;
	s3 =	sadd.s32 s3, s5;
	[dreg:$0x0] =	wrdreg $0x0  }
0xa8: {  	s5 =	sshll.u32 s28, $0x1;
	[dreg:$0x2] =	wrdreg s3  }
0xa9: {  	[dreg:$0x3] =	wrdreg s5  }
0xaa: {  	[dreg:$0x4] =	wrdreg $0xC0  }
0xab: {  	_ =	task [dreg:s7], $0x5FFFF  }
0xac: {  	[dreg:$0x1] =	wrdreg $0xFFFFFFFF  }
0xad: {  	[dreg:$0x0] =	wrdreg $0x60  }
0xae: {  	[dreg:$0x2] =	wrdreg s2  }
0xaf: {  	[dreg:$0x3] =	wrdreg s24  }
0xb0: {  	[dreg:$0x4] =	wrdreg $0x9  }
0xb1: {  	_ =	task.clear_ibuf [dreg:s7], $0x5FFFF;
	_ =	strace $0x90000046  }
0xb2: {  	s29 =	simm.s32 $0x9;
	_ =	strace $0x80000048  }
0xb3: {  	_ =	swait.ge [sflag:s29], $0x1  }
0xb4: {  	[sflag:s29] =	ssyncadd.s32 $0xFFFFFFFF  }
0xb5: {  	_ =	strace $0x90000048  }
0xb6: {  	_ =	sfence  }
0xb7: {  	s30 =	sld [smem:$0x0];
	_ =	sdelay $0x2  }
0xb8: {  	s31 =	sshll.u32 s1, $0xD;
	s1 =	sshrl.u32 s1, $0x2  }
0xb9: {  	s3 =	sand.u32 $0x4000, s31;
	s1 =	sadd.s32 s1, s30  }
0xba: {  	s0 =	sor.u32 s3, s0;
	s1 =	sshll.u32 s1, $0x11  }
0xbb: {  	s0 =	sor.u32 s1, s0  }
0xbc: {  	s0 =	sadd.s32 $0x8F2B, s0  }
0xbd: {  	[sflag:s0] =	ssyncadd.remote.s32 $0x1  }
0xbe: {  	_ =	sfence.sel $0xFFFF  }
0xbf: {  	[dreg:$0x0] =	wrdreg $0xFFFFFFFF;
	(pc) =	sbr.abs _section_cstart, $3  }
0xc0: {  	[dreg:$0x1] =	wrdreg $0xFFFFFFFF  }
0xc1: {  	_ =	task.clear_ibuf [dreg:s7], $0x2FFFF;
	_ =	strace $0x9FFFFFFF  }
0xc2: {  	(tm) =	ssettm $0x7FFFFFFF  }
0xc3: {  	_ =	shalt  }
tec
execute0_lowered:
.L_overlay_start_1:
0x0: {  	(tag) =	ssettag $0x1  }
0x1: {  	s3 =	rddreg [dreg:$0x0]  }
0x2: {  	s1 =	srdreg.scid;
	s0 =	stileid.u32  }
0x3: {  	s4 =	rddreg [dreg:$0x1];
	s9 =	simm.s32 $0x400;
	s10 =	simm.s32 $0x2  }
0x4: {  	s11 =	simm.s32 $0x0;
	s5 =	sand.u32 $0x1, s1;
	s2 =	sshll.u32 s0, $0x1  }
0x5: {  	s1 =	rddreg [dreg:$0x2];
	s7 =	sshrl.u32 s0, $0x2;
	s6 =	sor.u32 s5, s2  }
0x6: {  	s2 =	simm.s32 $0x0;
	s7 =	smul.u32 $0x13C00, s7;
	s5 =	ssub.s32 $0x2, s5  }
0x7: {  	s8 =	sshll.u32 s6, $0x7;
	[smem:$0x7FF] =	sst s2;
	s6 =	smul.u32 $0x2800, s6  }
0x8: {  	s31 =	sshrl.u32 s5, $0x1;
	s8 =	sand.u32 $0x380, s8;
	_ =	strace $0x80000047  }
0x9: {  	s5 =	ssub.s32 s5, s31;
	s7 =	sor.u32 s7, s8;
	s6 =	sshrl.u32 s6, $0x3  }
0xa: {  	s5 =	smax.u32 s5, $0x1;
	s8 =	simm.s32 $0x80;
	s7 =	sshrl.u32 s7, $0x3  }
0xb: {  	s3 =	sadd.s32 s3, s6;
	s6 =	simm.s32 $0x1;
	s4 =	sadd.s32 s7, s4  }
0xc: {  	v0 =	vimm.f32 $0.0e+00;
	v1 =	vimm.f32 $1.000000000e+00;
	s3 =	sadd.s32 $0xA000, s3;
	s7 =	simm.s32 $0x2800;
	s4 =	sadd.s32 $0x1A00, s4  }
.LBB2_1:
0xd: {  	[tilespmem:s2], [sflag:$0x1] =	stream.linear.gather [hbm4b:s3+s2], $0x2800, $0x38;
	[tilespmem:$0x4F80] =	vst v63  }
0xe: {  	s12 =	simm.s32 $0x40;
	s13 =	simm.s32 $0x0  }
.LBB2_2:
0xf: {  	p0 =	sne.s32 s12, $0x9DC0;
	[tilespmem:s13+$0x2800] =	vst v0;
	s13 =	smov.u32 s12;
	s12 =	sadd.s32 $0x40, s12  }
.Ltmp0:
0x10: {  	(pc) =	sbr.rel @p0 .LBB2_2-.Ltmp0, $2  }
0x11: {  	_ =	sdelay $0x2  }
0x12: {  	s13 =	sshra.s32 s13, $0x2  }
0x13: {  	[tilespmem:s13+$0x2800] =	vst v0  }
0x14: {  	_ =	swait.ge [sflag:s6], $0x2800  }
0x15: {  	[sflag:s6] =	ssyncset.done $0x0  }
0x16: {  	s12 =	simm.s32 $0x0;
	[sflag:s6] =	ssyncadd.s32 $0xFFFFD800  }
.LBB2_4:
0x17: {  	s13 =	sshra.s32 s12, $0x2  }
0x18: {  	v2 =	vld [tilespmem:s13+$0x0];
	_ =	sdelay $0x7  }
0x19: {  	[tilespmem:v2+s7+$0x0] =	vst.idx.add.f32.msk $0xffff, v1  }
0x1a: {  	v2 =	vld [tilespmem:s13+$0x10];
	_ =	sdelay $0x7  }
0x1b: {  	[tilespmem:v2+s7+$0x0] =	vst.idx.add.f32.msk $0xffff, v1  }
0x1c: {  	v2 =	vld [tilespmem:s13+$0x20];
	_ =	sdelay $0x7  }
0x1d: {  	[tilespmem:v2+s7+$0x0] =	vst.idx.add.f32.msk $0xffff, v1  }
0x1e: {  	v2 =	vld [tilespmem:s13+$0x30];
	_ =	sdelay $0x7  }
0x1f: {  	[tilespmem:v2+s7+$0x0] =	vst.idx.add.f32.msk $0xffff, v1  }
0x20: {  	v2 =	vld [tilespmem:s13+$0x40];
	_ =	sdelay $0x7  }
0x21: {  	[tilespmem:v2+s7+$0x0] =	vst.idx.add.f32.msk $0xffff, v1  }
0x22: {  	v2 =	vld [tilespmem:s13+$0x50];
	_ =	sdelay $0x7  }
0x23: {  	[tilespmem:v2+s7+$0x0] =	vst.idx.add.f32.msk $0xffff, v1  }
0x24: {  	v2 =	vld [tilespmem:s13+$0x60];
	_ =	sdelay $0x7  }
0x25: {  	[tilespmem:v2+s7+$0x0] =	vst.idx.add.f32.msk $0xffff, v1  }
0x26: {  	v2 =	vld [tilespmem:s13+$0x70];
	_ =	sdelay $0x2  }
0x27: {  	p0 =	sne.s32 s12, $0x9E00  }
.Ltmp1:
0x28: {  	_ = 	snop;
	(pc) =	sbr.rel @p0 .LBB2_4-.Ltmp1, $2  }
0x29: {  	_ =	sdelay $0x2  }
0x2a: {  	s12 =	sadd.s32 $0x200, s12;
	[tilespmem:v2+s7+$0x0] =	vst.idx.add.f32.msk $0xffff, v1  }
0x2b: {  	s11 =	sadd.s32 $0x1, s11  }
0x2c: {  	p0 =	sne.s32 s11, s5  }
.Ltmp2:
0x2d: {  	_ = 	snop;
	(pc) =	sbr.rel @p0 .LBB2_1-.Ltmp2, $4  }
0x2e: {  	[hbm4b:s4+s8] =	stream.strided.scatter [tilespmem:s7], [sflag:$0x2], $0x2780, s9, s8, $0x38;
	[tilespmem:$0x4F80] =	vst v63  }
0x2f: {  	_ =	swait.ge [sflag:s10], $0x2780  }
0x30: {  	[sflag:s10] =	ssyncset.done $0x0  }
0x31: {  	[sflag:s10] =	ssyncadd.s32 $0xFFFFD880  }
0x32: {  	_ =	sfence.sel $0x180000  }
0x33: {  	[bflag:$0x0] =	sbarrier.arrive $0xFFFF  }
0x34: {  	p0 =	sne.s32 s0, $0x0;
	_ =	strace $0x90000047  }
0x35: {  	s0 =	sadd.s32 @!p0 $0x100000, s1;
	[bflag:$0x2] =	sbarrier.arrive $0xFFFF  }
0x36: {  	[sflag:s0] =	ssyncadd.tile.s32 @!p0 $0x1;
	_ =	shalt  }
.Lfunc_end2:
_tile_overlayer_lowered:
.L_overlay_start_2:
0x37: {  	(tag) =	ssettag $0x2  }
0x38: {  	s0 =	rddreg [dreg:$0x0];
	s2 =	stileid.u32  }
0x39: {  	s1 =	rddreg [dreg:$0x1];
	p0 =	sne.s32 s2, $0x0  }
0x3a: {  	s3 =	rddreg [dreg:$0x2];
	[bflag:$0x3] =	sbarrier.arrive $0xFFFF;
	s2 =	simm.s32 @!p0 $0x1C02  }
0x3b: {  	[timem:s3], [sflag:s2] =	dma.local @!p0 [hbm:s0], s1  }
0x3c: {  	s0 =	simm.s32 @!p0 $0x2  }
0x3d: {  	_ =	swait.ge @!p0 [sflag:s0], s1  }
0x3e: {  	s1 =	ssub.s32 @!p0 $0x0, s1;
	[sflag:s0] =	ssyncset.done @!p0 $0x0  }
0x3f: {  	[sflag:s0] =	ssyncadd.s32 @!p0 s1  }
0x40: {  	[bflag:$0x3] =	sbarrier.arrive $0xFFFF  }
0x41: {  	_ =	shalt  }

</sc_bundles>
